<compile_context>
chip_gen: v7x
topology: tpu7x:2x2x1
jax: 0.10.2.dev20260603
libtpu: 0.0.44.dev20260713+nightly
codegen_flags: <defaults>
</compile_context>

<pallas_src>
import functools

import numpy as np
import jax
import jax.numpy as jnp
from jax import lax
from jax.experimental import pallas as pl
from jax.experimental.pallas import tpu as pltpu
from jax.experimental.pallas import tpu_sc as plsc

_IN = 256
_B = 1024
_K = _IN * (_IN + 1) // 2
_NW = 32
_ROWS_PER = _B // _NW
_RG = 8
_NG = _ROWS_PER // _RG
_KC = 4096
_NCH = _K // _KC
_KT = _K - _NCH * _KC
_L = 16
_TLANES = 128
_TSZ = _RG * _TLANES
_CT = _K // _TLANES

_i0_np, _i1_np = np.triu_indices(_IN, k=0)


def _tile_off(col):
    return (col.astype(np.int32) >> 7) * 1024 + (col.astype(np.int32) & 127)


_pidx_np = (_i0_np.astype(np.int32) << 8) | _i1_np.astype(np.int32)


def _make_sc_call():
    mesh = plsc.VectorSubcoreMesh(core_axis_name="c", subcore_axis_name="s")

    @functools.partial(
        pl.kernel,
        mesh=mesh,
        out_type=jax.ShapeDtypeStruct((_B * _K,), jnp.float32),
        compiler_params=pltpu.CompilerParams(needs_layout_passes=False),
        scratch_types=[
            pltpu.VMEM((_ROWS_PER * _IN,), jnp.float32),
            pltpu.VMEM((_K,), jnp.int32),
            pltpu.VMEM((_RG * _KC,), jnp.float32),
            pltpu.VMEM((_RG * _KC,), jnp.float32),
            pltpu.VMEM((_RG * _KT,), jnp.float32),
            pltpu.SemaphoreType.DMA,
            pltpu.SemaphoreType.DMA,
        ],
    )
    def sc_call(x_hbm, pidx_hbm, out_hbm, x_v, pidx_v, outbuf0, outbuf1,
                tailbuf, sem0, sem1):
        wid = lax.axis_index("s") * 2 + lax.axis_index("c")
        rowbase = wid * _ROWS_PER
        tilebase = wid * _NG
        pltpu.sync_copy(x_hbm.at[pl.ds(rowbase * _IN, _ROWS_PER * _IN)], x_v)
        pltpu.sync_copy(pidx_hbm, pidx_v)

        outbufs = (outbuf0, outbuf1)

        def pair_body(g, kbase, out_ref, nvec):
            def j_body(j, carry):
                p = pidx_v[pl.ds(kbase + j * _L, _L)]
                idx0 = (p >> 8) + g * (_RG * _IN)
                idx1 = (p & 255) + g * (_RG * _IN)
                toff = (j // 8) * _TSZ + (j % 8) * _L
                for r in range(_RG):
                    a = plsc.load_gather(x_v, [idx0 + r * _IN])
                    b = plsc.load_gather(x_v, [idx1 + r * _IN])
                    out_ref[pl.ds(toff + r * _TLANES, _L)] = a * b
                return carry

            lax.fori_loop(0, nvec, j_body, 0)

        _NPIECE = 8
        _PIECE = _RG * _KC // _NPIECE

        def dma_piece(g, c, buf, i, sem):
            hoff = ((tilebase + g) * _CT + c * (_KC // _TLANES)) * _TSZ
            return pltpu.make_async_copy(
                outbufs[buf].at[pl.ds(i * _PIECE, _PIECE)],
                out_hbm.at[pl.ds(hoff + i * _PIECE, _PIECE)],
                sem,
            )

        def dma_start(g, c, buf, sem):
            for i in range(_NPIECE):
                dma_piece(g, c, buf, i, sem).start()

        def dma_wait(g, c, buf, sem):
            for i in range(_NPIECE):
                dma_piece(g, c, buf, i, sem).wait()

        def t_body(t, carry):
            g = t // (_NCH // 2)
            cp = t % (_NCH // 2)
            c0 = 2 * cp
            c1 = 2 * cp + 1

            @pl.when(t > 0)
            def _():
                dma_wait(g, c0, 0, sem0)

            pair_body(g, c0 * _KC, outbuf0, _KC // _L)
            dma_start(g, c0, 0, sem0)

            @pl.when(t > 0)
            def _():
                dma_wait(g, c1, 1, sem1)

            pair_body(g, c1 * _KC, outbuf1, _KC // _L)
            dma_start(g, c1, 1, sem1)
            return carry

        nt = _NG * (_NCH // 2)
        lax.fori_loop(0, nt, t_body, 0)

        def tail_body(g, carry):
            pair_body(g, _NCH * _KC, tailbuf, _KT // _L)
            hoff = ((tilebase + g) * _CT + _NCH * (_KC // _TLANES)) * _TSZ
            pltpu.sync_copy(tailbuf, out_hbm.at[pl.ds(hoff, _RG * _KT)])
            return carry

        lax.fori_loop(0, _NG, tail_body, 0)
        dma_wait(_NG - 1, _NCH - 2, 0, sem0)
        dma_wait(_NG - 1, _NCH - 1, 1, sem1)

    return sc_call


_sc_call = _make_sc_call()


def kernel(x):
    pidx = jnp.asarray(_pidx_np, dtype=jnp.int32)
    flat = _sc_call(x.reshape(-1), pidx)
    out = flat.reshape(_B // _RG, _CT, _RG, _TLANES)
    return out.transpose(0, 2, 1, 3).reshape(_B, _K)

# --- scband reference (transcript-rebuilt; emitter-appended) ---
"""Pipeline reference for scband-mul-60052232732828 (READ-ONLY COPY).

The authoritative reference and input builder live on the scoring server;
editing this copy changes nothing except your own understanding.
"""

import jax, jax.numpy as jnp
import numpy as np

IN_DIM = 256
BATCH = 1024

def setup_inputs(seed: int = 0) -> dict:
    key = jax.random.key(seed)
    x = jax.random.normal(key, (BATCH, IN_DIM), dtype=jnp.float32)
    return {"x": x}

def reference(x):
    i0, i1 = np.triu_indices(IN_DIM, k=0)
    i0 = jnp.asarray(i0, dtype=jnp.int32)
    i1 = jnp.asarray(i1, dtype=jnp.int32)
    out = jnp.take(x, i0, axis=1) * jnp.take(x, i1, axis=1)
    return out

if __name__ == "__main__":
    import jax
    _d = setup_inputs()
    print(jax.jit(kernel)(*tuple(_d.values())))

</pallas_src>

<mosaic_0001>
#map = affine_map<(d0, d1) -> (0)>
module attributes {stable_mosaic.version = 14 : i64} {
  func.func @sc_call(%arg0: i32, %arg1: i32, %arg2: memref<262144xf32, #tpu.memory_space<hbm>>, %arg3: memref<32896xi32, #tpu.memory_space<hbm>>, %arg4: memref<33685504xf32, #tpu.memory_space<hbm>>, %arg5: memref<8192xf32, #tpu.memory_space<vmem>>, %arg6: memref<32896xi32, #tpu.memory_space<vmem>>, %arg7: memref<32768xf32, #tpu.memory_space<vmem>>, %arg8: memref<32768xf32, #tpu.memory_space<vmem>>, %arg9: memref<1024xf32, #tpu.memory_space<vmem>>, %arg10: memref<!tpu.dma_semaphore, #tpu.memory_space<semaphore_mem>>, %arg11: memref<!tpu.dma_semaphore, #tpu.memory_space<semaphore_mem>>) attributes {dimension_semantics = [#tpu.dimension_semantics<core_parallel>, #tpu.dimension_semantics<subcore_parallel>], iteration_bounds = array<i64: 2, 16>, scalar_prefetch = 0 : i64, scratch_operands = 7 : i64, tpu.core_type = #tpu.core_type<sc_vector_subcore>, window_params = [{transform_indices = #map}, {transform_indices = #map}, {transform_indices = #map}]} {
    %mul3A = arith.constant 2 : i32
    %mul3A_0 = arith.muli %arg1, %mul3A : i32
    %add3A = arith.addi %mul3A_0, %arg0 : i32
    %mul3A_1 = arith.constant 32 : i32
    %mul3A_2 = arith.muli %add3A, %mul3A_1 : i32
    %mul3A_3 = arith.constant 4 : i32
    %mul3A_4 = arith.muli %add3A, %mul3A_3 : i32
    %mul3A_5 = arith.constant 256 : i32
    %mul3A_6 = arith.muli %mul3A_2, %mul3A_5 : i32
    "tpu.region"() ({
      %run_scoped3A = tpu.sem_alloc : memref<!tpu.dma_semaphore, #tpu.memory_space<semaphore_mem>>
      %dma_start3A = tpu.memref_slice %arg2[%mul3A_6] : memref<262144xf32, #tpu.memory_space<hbm>> -> memref<8192xf32, #tpu.memory_space<hbm>>
      %dma_start3A_273 = tpu.memref_slice %arg2[%mul3A_6] : memref<262144xf32, #tpu.memory_space<hbm>> -> memref<8192xf32, #tpu.memory_space<hbm>>
      tpu.enqueue_dma source(%dma_start3A_273 : memref<8192xf32, #tpu.memory_space<hbm>>) target(%arg5 : memref<8192xf32, #tpu.memory_space<vmem>>) target_semaphore(%run_scoped3A : memref<!tpu.dma_semaphore, #tpu.memory_space<semaphore_mem>>)
      %dma_wait3A_274 = tpu.memref_slice %arg2[%mul3A_6] : memref<262144xf32, #tpu.memory_space<hbm>> -> memref<8192xf32, #tpu.memory_space<hbm>>
      %dma_wait3A_275 = tpu.memref_slice %arg2[%mul3A_6] : memref<262144xf32, #tpu.memory_space<hbm>> -> memref<8192xf32, #tpu.memory_space<hbm>>
      tpu.wait_dma2 semaphore(%run_scoped3A : memref<!tpu.dma_semaphore, #tpu.memory_space<semaphore_mem>>) src(%dma_wait3A_275 : memref<8192xf32, #tpu.memory_space<hbm>>) dst(%arg5 : memref<8192xf32, #tpu.memory_space<vmem>>)
      tpu.yield
    }) : () -> ()
    "tpu.region"() ({
      %run_scoped3A = tpu.sem_alloc : memref<!tpu.dma_semaphore, #tpu.memory_space<semaphore_mem>>
      tpu.enqueue_dma source(%arg3 : memref<32896xi32, #tpu.memory_space<hbm>>) target(%arg6 : memref<32896xi32, #tpu.memory_space<vmem>>) target_semaphore(%run_scoped3A : memref<!tpu.dma_semaphore, #tpu.memory_space<semaphore_mem>>)
      tpu.wait_dma2 semaphore(%run_scoped3A : memref<!tpu.dma_semaphore, #tpu.memory_space<semaphore_mem>>) src(%arg3 : memref<32896xi32, #tpu.memory_space<hbm>>) dst(%arg6 : memref<32896xi32, #tpu.memory_space<vmem>>)
      tpu.yield
    }) : () -> ()
    %scan3A = arith.constant 0 : i32
    %scan3A_7 = arith.constant 0 : i32
    %scan3A_8 = arith.constant 16 : i32
    %scan3A_9 = arith.addi %scan3A_7, %scan3A_8 : i32
    %scan3A_10 = arith.constant 1 : i32
    scf.for %scan3A_273 = %scan3A_7 to %scan3A_9 step %scan3A_10  : i32 {
      %jit3A = arith.constant 4 : i32
      %div3A = arith.divsi %scan3A_273, %jit3A : i32
      %sign3A = arith.constant 0 : i32
      %sign3A_274 = arith.cmpi sgt, %scan3A_273, %sign3A : i32
      %sign3A_275 = arith.extui %sign3A_274 : i1 to i32
      %sign3A_276 = arith.constant 0 : i32
      %sign3A_277 = arith.cmpi slt, %scan3A_273, %sign3A_276 : i32
      %sign3A_278 = arith.extui %sign3A_277 : i1 to i32
      %sign3A_279 = arith.subi %sign3A_275, %sign3A_278 : i32
      %sign3A_280 = arith.constant 0 : i32
      %sign3A_281 = arith.cmpi sgt, %jit3A, %sign3A_280 : i32
      %sign3A_282 = arith.extui %sign3A_281 : i1 to i32
      %sign3A_283 = arith.constant 0 : i32
      %sign3A_284 = arith.cmpi slt, %jit3A, %sign3A_283 : i32
      %sign3A_285 = arith.extui %sign3A_284 : i1 to i32
      %sign3A_286 = arith.subi %sign3A_282, %sign3A_285 : i32
      %ne3A = arith.cmpi ne, %sign3A_279, %sign3A_286 : i32
      %rem3A = arith.remsi %scan3A_273, %jit3A : i32
      %ne3A_287 = arith.constant 0 : i32
      %ne3A_288 = arith.cmpi ne, %rem3A, %ne3A_287 : i32
      %and3A = arith.andi %ne3A, %ne3A_288 : i1
      %sub3A = arith.constant 1 : i32
      %sub3A_289 = arith.subi %div3A, %sub3A : i32
      %select_n3A = arith.select %and3A, %sub3A_289, %div3A : i32
      %jit3A_290 = arith.constant 4 : i32
      %eq3A = arith.constant 0 : i32
      %eq3A_291 = arith.cmpi eq, %jit3A_290, %eq3A : i32
      %jit3A_292 = arith.constant 1 : i32
      %select_n3A_293 = arith.select %eq3A_291, %jit3A_292, %jit3A_290 : i32
      %rem3A_294 = arith.remsi %scan3A_273, %select_n3A_293 : i32
      %ne3A_295 = arith.constant 0 : i32
      %ne3A_296 = arith.cmpi ne, %rem3A_294, %ne3A_295 : i32
      %lt3A = arith.constant 0 : i32
      %lt3A_297 = arith.cmpi slt, %rem3A_294, %lt3A : i32
      %lt3A_298 = arith.constant 0 : i32
      %lt3A_299 = arith.cmpi slt, %select_n3A_293, %lt3A_298 : i32
      %ne3A_300 = arith.xori %lt3A_297, %lt3A_299 : i1
      %and3A_301 = arith.andi %ne3A_300, %ne3A_296 : i1
      %add3A_302 = arith.addi %rem3A_294, %select_n3A_293 : i32
      %select_n3A_303 = arith.select %and3A_301, %add3A_302, %rem3A_294 : i32
      %mul3A_304 = arith.constant 2 : i32
      %mul3A_305 = arith.muli %mul3A_304, %select_n3A_303 : i32
      %mul3A_306 = arith.constant 2 : i32
      %mul3A_307 = arith.muli %mul3A_306, %select_n3A_303 : i32
      %add3A_308 = arith.constant 1 : i32
      %add3A_309 = arith.addi %mul3A_307, %add3A_308 : i32
      %gt3A = arith.constant 0 : i32
      %gt3A_310 = arith.cmpi sgt, %scan3A_273, %gt3A : i32
      %convert_element_type3A = arith.extui %gt3A_310 : i1 to i32
      %cond3A = arith.constant 0 : i32
      %cond3A_311 = arith.cmpi ne, %convert_element_type3A, %cond3A : i32
      scf.if %cond3A_311 {
        %add3A_588 = arith.addi %mul3A_4, %select_n3A : i32
        %mul3A_589 = arith.constant 257 : i32
        %mul3A_590 = arith.muli %add3A_588, %mul3A_589 : i32
        %mul3A_591 = arith.constant 32 : i32
        %mul3A_592 = arith.muli %mul3A_305, %mul3A_591 : i32
        %add3A_593 = arith.addi %mul3A_590, %mul3A_592 : i32
        %mul3A_594 = arith.constant 1024 : i32
        %mul3A_595 = arith.muli %add3A_593, %mul3A_594 : i32
        %add3A_596 = arith.constant 0 : i32
        %add3A_597 = arith.addi %mul3A_595, %add3A_596 : i32
        %dma_wait3A_598 = arith.constant 0 : i32
        %dma_wait3A_599 = tpu.memref_slice %arg7[%dma_wait3A_598] : memref<32768xf32, #tpu.memory_space<vmem>> -> memref<4096xf32, #tpu.memory_space<vmem>>
        %dma_wait3A_600 = tpu.memref_slice %arg4[%add3A_597] : memref<33685504xf32, #tpu.memory_space<hbm>> -> memref<4096xf32, #tpu.memory_space<hbm>>
        %dma_wait3A_601 = tpu.memref_slice %arg4[%add3A_597] : memref<33685504xf32, #tpu.memory_space<hbm>> -> memref<4096xf32, #tpu.memory_space<hbm>>
        %dma_wait3A_602 = arith.constant 0 : i32
        %dma_wait3A_603 = tpu.memref_slice %arg7[%dma_wait3A_602] : memref<32768xf32, #tpu.memory_space<vmem>> -> memref<4096xf32, #tpu.memory_space<vmem>>
        tpu.wait_dma2 semaphore(%arg10 : memref<!tpu.dma_semaphore, #tpu.memory_space<semaphore_mem>>) src(%dma_wait3A_603 : memref<4096xf32, #tpu.memory_space<vmem>>) dst(%dma_wait3A_601 : memref<4096xf32, #tpu.memory_space<hbm>>)
        %add3A_604 = arith.addi %mul3A_4, %select_n3A : i32
        %mul3A_605 = arith.constant 257 : i32
        %mul3A_606 = arith.muli %add3A_604, %mul3A_605 : i32
        %mul3A_607 = arith.constant 32 : i32
        %mul3A_608 = arith.muli %mul3A_305, %mul3A_607 : i32
        %add3A_609 = arith.addi %mul3A_606, %mul3A_608 : i32
        %mul3A_610 = arith.constant 1024 : i32
        %mul3A_611 = arith.muli %add3A_609, %mul3A_610 : i32
        %add3A_612 = arith.constant 4096 : i32
        %add3A_613 = arith.addi %mul3A_611, %add3A_612 : i32
        %dma_wait3A_614 = arith.constant 4096 : i32
        %dma_wait3A_615 = tpu.memref_slice %arg7[%dma_wait3A_614] : memref<32768xf32, #tpu.memory_space<vmem>> -> memref<4096xf32, #tpu.memory_space<vmem>>
        %dma_wait3A_616 = tpu.memref_slice %arg4[%add3A_613] : memref<33685504xf32, #tpu.memory_space<hbm>> -> memref<4096xf32, #tpu.memory_space<hbm>>
        %dma_wait3A_617 = tpu.memref_slice %arg4[%add3A_613] : memref<33685504xf32, #tpu.memory_space<hbm>> -> memref<4096xf32, #tpu.memory_space<hbm>>
        %dma_wait3A_618 = arith.constant 4096 : i32
        %dma_wait3A_619 = tpu.memref_slice %arg7[%dma_wait3A_618] : memref<32768xf32, #tpu.memory_space<vmem>> -> memref<4096xf32, #tpu.memory_space<vmem>>
        tpu.wait_dma2 semaphore(%arg10 : memref<!tpu.dma_semaphore, #tpu.memory_space<semaphore_mem>>) src(%dma_wait3A_619 : memref<4096xf32, #tpu.memory_space<vmem>>) dst(%dma_wait3A_617 : memref<4096xf32, #tpu.memory_space<hbm>>)
        %add3A_620 = arith.addi %mul3A_4, %select_n3A : i32
        %mul3A_621 = arith.constant 257 : i32
        %mul3A_622 = arith.muli %add3A_620, %mul3A_621 : i32
        %mul3A_623 = arith.constant 32 : i32
        %mul3A_624 = arith.muli %mul3A_305, %mul3A_623 : i32
        %add3A_625 = arith.addi %mul3A_622, %mul3A_624 : i32
        %mul3A_626 = arith.constant 1024 : i32
        %mul3A_627 = arith.muli %add3A_625, %mul3A_626 : i32
        %add3A_628 = arith.constant 8192 : i32
        %add3A_629 = arith.addi %mul3A_627, %add3A_628 : i32
        %dma_wait3A_630 = arith.constant 8192 : i32
        %dma_wait3A_631 = tpu.memref_slice %arg7[%dma_wait3A_630] : memref<32768xf32, #tpu.memory_space<vmem>> -> memref<4096xf32, #tpu.memory_space<vmem>>
        %dma_wait3A_632 = tpu.memref_slice %arg4[%add3A_629] : memref<33685504xf32, #tpu.memory_space<hbm>> -> memref<4096xf32, #tpu.memory_space<hbm>>
        %dma_wait3A_633 = tpu.memref_slice %arg4[%add3A_629] : memref<33685504xf32, #tpu.memory_space<hbm>> -> memref<4096xf32, #tpu.memory_space<hbm>>
        %dma_wait3A_634 = arith.constant 8192 : i32
        %dma_wait3A_635 = tpu.memref_slice %arg7[%dma_wait3A_634] : memref<32768xf32, #tpu.memory_space<vmem>> -> memref<4096xf32, #tpu.memory_space<vmem>>
        tpu.wait_dma2 semaphore(%arg10 : memref<!tpu.dma_semaphore, #tpu.memory_space<semaphore_mem>>) src(%dma_wait3A_635 : memref<4096xf32, #tpu.memory_space<vmem>>) dst(%dma_wait3A_633 : memref<4096xf32, #tpu.memory_space<hbm>>)
        %add3A_636 = arith.addi %mul3A_4, %select_n3A : i32
        %mul3A_637 = arith.constant 257 : i32
        %mul3A_638 = arith.muli %add3A_636, %mul3A_637 : i32
        %mul3A_639 = arith.constant 32 : i32
        %mul3A_640 = arith.muli %mul3A_305, %mul3A_639 : i32
        %add3A_641 = arith.addi %mul3A_638, %mul3A_640 : i32
        %mul3A_642 = arith.constant 1024 : i32
        %mul3A_643 = arith.muli %add3A_641, %mul3A_642 : i32
        %add3A_644 = arith.constant 12288 : i32
        %add3A_645 = arith.addi %mul3A_643, %add3A_644 : i32
        %dma_wait3A_646 = arith.constant 12288 : i32
        %dma_wait3A_647 = tpu.memref_slice %arg7[%dma_wait3A_646] : memref<32768xf32, #tpu.memory_space<vmem>> -> memref<4096xf32, #tpu.memory_space<vmem>>
        %dma_wait3A_648 = tpu.memref_slice %arg4[%add3A_645] : memref<33685504xf32, #tpu.memory_space<hbm>> -> memref<4096xf32, #tpu.memory_space<hbm>>
        %dma_wait3A_649 = tpu.memref_slice %arg4[%add3A_645] : memref<33685504xf32, #tpu.memory_space<hbm>> -> memref<4096xf32, #tpu.memory_space<hbm>>
        %dma_wait3A_650 = arith.constant 12288 : i32
        %dma_wait3A_651 = tpu.memref_slice %arg7[%dma_wait3A_650] : memref<32768xf32, #tpu.memory_space<vmem>> -> memref<4096xf32, #tpu.memory_space<vmem>>
        tpu.wait_dma2 semaphore(%arg10 : memref<!tpu.dma_semaphore, #tpu.memory_space<semaphore_mem>>) src(%dma_wait3A_651 : memref<4096xf32, #tpu.memory_space<vmem>>) dst(%dma_wait3A_649 : memref<4096xf32, #tpu.memory_space<hbm>>)
        %add3A_652 = arith.addi %mul3A_4, %select_n3A : i32
        %mul3A_653 = arith.constant 257 : i32
        %mul3A_654 = arith.muli %add3A_652, %mul3A_653 : i32
        %mul3A_655 = arith.constant 32 : i32
        %mul3A_656 = arith.muli %mul3A_305, %mul3A_655 : i32
        %add3A_657 = arith.addi %mul3A_654, %mul3A_656 : i32
        %mul3A_658 = arith.constant 1024 : i32
        %mul3A_659 = arith.muli %add3A_657, %mul3A_658 : i32
        %add3A_660 = arith.constant 16384 : i32
        %add3A_661 = arith.addi %mul3A_659, %add3A_660 : i32
        %dma_wait3A_662 = arith.constant 16384 : i32
        %dma_wait3A_663 = tpu.memref_slice %arg7[%dma_wait3A_662] : memref<32768xf32, #tpu.memory_space<vmem>> -> memref<4096xf32, #tpu.memory_space<vmem>>
        %dma_wait3A_664 = tpu.memref_slice %arg4[%add3A_661] : memref<33685504xf32, #tpu.memory_space<hbm>> -> memref<4096xf32, #tpu.memory_space<hbm>>
        %dma_wait3A_665 = tpu.memref_slice %arg4[%add3A_661] : memref<33685504xf32, #tpu.memory_space<hbm>> -> memref<4096xf32, #tpu.memory_space<hbm>>
        %dma_wait3A_666 = arith.constant 16384 : i32
        %dma_wait3A_667 = tpu.memref_slice %arg7[%dma_wait3A_666] : memref<32768xf32, #tpu.memory_space<vmem>> -> memref<4096xf32, #tpu.memory_space<vmem>>
        tpu.wait_dma2 semaphore(%arg10 : memref<!tpu.dma_semaphore, #tpu.memory_space<semaphore_mem>>) src(%dma_wait3A_667 : memref<4096xf32, #tpu.memory_space<vmem>>) dst(%dma_wait3A_665 : memref<4096xf32, #tpu.memory_space<hbm>>)
        %add3A_668 = arith.addi %mul3A_4, %select_n3A : i32
        %mul3A_669 = arith.constant 257 : i32
        %mul3A_670 = arith.muli %add3A_668, %mul3A_669 : i32
        %mul3A_671 = arith.constant 32 : i32
        %mul3A_672 = arith.muli %mul3A_305, %mul3A_671 : i32
        %add3A_673 = arith.addi %mul3A_670, %mul3A_672 : i32
        %mul3A_674 = arith.constant 1024 : i32
        %mul3A_675 = arith.muli %add3A_673, %mul3A_674 : i32
        %add3A_676 = arith.constant 20480 : i32
        %add3A_677 = arith.addi %mul3A_675, %add3A_676 : i32
        %dma_wait3A_678 = arith.constant 20480 : i32
        %dma_wait3A_679 = tpu.memref_slice %arg7[%dma_wait3A_678] : memref<32768xf32, #tpu.memory_space<vmem>> -> memref<4096xf32, #tpu.memory_space<vmem>>
        %dma_wait3A_680 = tpu.memref_slice %arg4[%add3A_677] : memref<33685504xf32, #tpu.memory_space<hbm>> -> memref<4096xf32, #tpu.memory_space<hbm>>
        %dma_wait3A_681 = tpu.memref_slice %arg4[%add3A_677] : memref<33685504xf32, #tpu.memory_space<hbm>> -> memref<4096xf32, #tpu.memory_space<hbm>>
        %dma_wait3A_682 = arith.constant 20480 : i32
        %dma_wait3A_683 = tpu.memref_slice %arg7[%dma_wait3A_682] : memref<32768xf32, #tpu.memory_space<vmem>> -> memref<4096xf32, #tpu.memory_space<vmem>>
        tpu.wait_dma2 semaphore(%arg10 : memref<!tpu.dma_semaphore, #tpu.memory_space<semaphore_mem>>) src(%dma_wait3A_683 : memref<4096xf32, #tpu.memory_space<vmem>>) dst(%dma_wait3A_681 : memref<4096xf32, #tpu.memory_space<hbm>>)
        %add3A_684 = arith.addi %mul3A_4, %select_n3A : i32
        %mul3A_685 = arith.constant 257 : i32
        %mul3A_686 = arith.muli %add3A_684, %mul3A_685 : i32
        %mul3A_687 = arith.constant 32 : i32
        %mul3A_688 = arith.muli %mul3A_305, %mul3A_687 : i32
        %add3A_689 = arith.addi %mul3A_686, %mul3A_688 : i32
        %mul3A_690 = arith.constant 1024 : i32
        %mul3A_691 = arith.muli %add3A_689, %mul3A_690 : i32
        %add3A_692 = arith.constant 24576 : i32
        %add3A_693 = arith.addi %mul3A_691, %add3A_692 : i32
        %dma_wait3A_694 = arith.constant 24576 : i32
        %dma_wait3A_695 = tpu.memref_slice %arg7[%dma_wait3A_694] : memref<32768xf32, #tpu.memory_space<vmem>> -> memref<4096xf32, #tpu.memory_space<vmem>>
        %dma_wait3A_696 = tpu.memref_slice %arg4[%add3A_693] : memref<33685504xf32, #tpu.memory_space<hbm>> -> memref<4096xf32, #tpu.memory_space<hbm>>
        %dma_wait3A_697 = tpu.memref_slice %arg4[%add3A_693] : memref<33685504xf32, #tpu.memory_space<hbm>> -> memref<4096xf32, #tpu.memory_space<hbm>>
        %dma_wait3A_698 = arith.constant 24576 : i32
        %dma_wait3A_699 = tpu.memref_slice %arg7[%dma_wait3A_698] : memref<32768xf32, #tpu.memory_space<vmem>> -> memref<4096xf32, #tpu.memory_space<vmem>>
        tpu.wait_dma2 semaphore(%arg10 : memref<!tpu.dma_semaphore, #tpu.memory_space<semaphore_mem>>) src(%dma_wait3A_699 : memref<4096xf32, #tpu.memory_space<vmem>>) dst(%dma_wait3A_697 : memref<4096xf32, #tpu.memory_space<hbm>>)
        %add3A_700 = arith.addi %mul3A_4, %select_n3A : i32
        %mul3A_701 = arith.constant 257 : i32
        %mul3A_702 = arith.muli %add3A_700, %mul3A_701 : i32
        %mul3A_703 = arith.constant 32 : i32
        %mul3A_704 = arith.muli %mul3A_305, %mul3A_703 : i32
        %add3A_705 = arith.addi %mul3A_702, %mul3A_704 : i32
        %mul3A_706 = arith.constant 1024 : i32
        %mul3A_707 = arith.muli %add3A_705, %mul3A_706 : i32
        %add3A_708 = arith.constant 28672 : i32
        %add3A_709 = arith.addi %mul3A_707, %add3A_708 : i32
        %dma_wait3A_710 = arith.constant 28672 : i32
        %dma_wait3A_711 = tpu.memref_slice %arg7[%dma_wait3A_710] : memref<32768xf32, #tpu.memory_space<vmem>> -> memref<4096xf32, #tpu.memory_space<vmem>>
        %dma_wait3A_712 = tpu.memref_slice %arg4[%add3A_709] : memref<33685504xf32, #tpu.memory_space<hbm>> -> memref<4096xf32, #tpu.memory_space<hbm>>
        %dma_wait3A_713 = tpu.memref_slice %arg4[%add3A_709] : memref<33685504xf32, #tpu.memory_space<hbm>> -> memref<4096xf32, #tpu.memory_space<hbm>>
        %dma_wait3A_714 = arith.constant 28672 : i32
        %dma_wait3A_715 = tpu.memref_slice %arg7[%dma_wait3A_714] : memref<32768xf32, #tpu.memory_space<vmem>> -> memref<4096xf32, #tpu.memory_space<vmem>>
        tpu.wait_dma2 semaphore(%arg10 : memref<!tpu.dma_semaphore, #tpu.memory_space<semaphore_mem>>) src(%dma_wait3A_715 : memref<4096xf32, #tpu.memory_space<vmem>>) dst(%dma_wait3A_713 : memref<4096xf32, #tpu.memory_space<hbm>>)
      } else {
      }
      %mul3A_312 = arith.constant 4096 : i32
      %mul3A_313 = arith.muli %mul3A_305, %mul3A_312 : i32
      %scan3A_314 = arith.constant 0 : i32
      %scan3A_315 = arith.constant 0 : i32
      %scan3A_316 = arith.constant 256 : i32
      %scan3A_317 = arith.addi %scan3A_315, %scan3A_316 : i32
      %scan3A_318 = arith.constant 1 : i32
      scf.for %scan3A_588 = %scan3A_315 to %scan3A_317 step %scan3A_318  : i32 {
        %mul3A_589 = arith.constant 16 : i32
        %mul3A_590 = arith.muli %scan3A_588, %mul3A_589 : i32
        %add3A_591 = arith.addi %mul3A_313, %mul3A_590 : i32
        %get3A = arith.index_cast %add3A_591 : i32 to index
        %get3A_592 = tpu.vector_load %arg6[%get3A] {strides = array<i32>} : memref<32896xi32, #tpu.memory_space<vmem>>, vector<16xi32>,
        %shift_right_arithmetic3A = arith.constant 8 : i32
        %shift_right_arithmetic3A_593 = vector.broadcast %shift_right_arithmetic3A : i32 to vector<16xi32>
        %shift_right_arithmetic3A_594 = arith.shrsi %get3A_592, %shift_right_arithmetic3A_593 : vector<16xi32>
        %mul3A_595 = arith.constant 2048 : i32
        %mul3A_596 = arith.muli %select_n3A, %mul3A_595 : i32
        %add3A_597 = vector.broadcast %mul3A_596 : i32 to vector<16xi32>
        %add3A_598 = arith.addi %shift_right_arithmetic3A_594, %add3A_597 : vector<16xi32>
        %and3A_599 = arith.constant 255 : i32
        %and3A_600 = vector.broadcast %and3A_599 : i32 to vector<16xi32>
        %and3A_601 = arith.andi %get3A_592, %and3A_600 : vector<16xi32>
        %mul3A_602 = arith.constant 2048 : i32
        %mul3A_603 = arith.muli %select_n3A, %mul3A_602 : i32
        %add3A_604 = vector.broadcast %mul3A_603 : i32 to vector<16xi32>
        %add3A_605 = arith.addi %and3A_601, %add3A_604 : vector<16xi32>
        %jit3A_606 = arith.constant 8 : i32
        %div3A_607 = arith.divsi %scan3A_588, %jit3A_606 : i32
        %sign3A_608 = arith.constant 0 : i32
        %sign3A_609 = arith.cmpi sgt, %scan3A_588, %sign3A_608 : i32
        %sign3A_610 = arith.extui %sign3A_609 : i1 to i32
        %sign3A_611 = arith.constant 0 : i32
        %sign3A_612 = arith.cmpi slt, %scan3A_588, %sign3A_611 : i32
        %sign3A_613 = arith.extui %sign3A_612 : i1 to i32
        %sign3A_614 = arith.subi %sign3A_610, %sign3A_613 : i32
        %sign3A_615 = arith.constant 0 : i32
        %sign3A_616 = arith.cmpi sgt, %jit3A_606, %sign3A_615 : i32
        %sign3A_617 = arith.extui %sign3A_616 : i1 to i32
        %sign3A_618 = arith.constant 0 : i32
        %sign3A_619 = arith.cmpi slt, %jit3A_606, %sign3A_618 : i32
        %sign3A_620 = arith.extui %sign3A_619 : i1 to i32
        %sign3A_621 = arith.subi %sign3A_617, %sign3A_620 : i32
        %ne3A_622 = arith.cmpi ne, %sign3A_614, %sign3A_621 : i32
        %rem3A_623 = arith.remsi %scan3A_588, %jit3A_606 : i32
        %ne3A_624 = arith.constant 0 : i32
        %ne3A_625 = arith.cmpi ne, %rem3A_623, %ne3A_624 : i32
        %and3A_626 = arith.andi %ne3A_622, %ne3A_625 : i1
        %sub3A_627 = arith.constant 1 : i32
        %sub3A_628 = arith.subi %div3A_607, %sub3A_627 : i32
        %select_n3A_629 = arith.select %and3A_626, %sub3A_628, %div3A_607 : i32
        %mul3A_630 = arith.constant 1024 : i32
        %mul3A_631 = arith.muli %select_n3A_629, %mul3A_630 : i32
        %jit3A_632 = arith.constant 8 : i32
        %eq3A_633 = arith.constant 0 : i32
        %eq3A_634 = arith.cmpi eq, %jit3A_632, %eq3A_633 : i32
        %jit3A_635 = arith.constant 1 : i32
        %select_n3A_636 = arith.select %eq3A_634, %jit3A_635, %jit3A_632 : i32
        %rem3A_637 = arith.remsi %scan3A_588, %select_n3A_636 : i32
        %ne3A_638 = arith.constant 0 : i32
        %ne3A_639 = arith.cmpi ne, %rem3A_637, %ne3A_638 : i32
        %lt3A_640 = arith.constant 0 : i32
        %lt3A_641 = arith.cmpi slt, %rem3A_637, %lt3A_640 : i32
        %lt3A_642 = arith.constant 0 : i32
        %lt3A_643 = arith.cmpi slt, %select_n3A_636, %lt3A_642 : i32
        %ne3A_644 = arith.xori %lt3A_641, %lt3A_643 : i1
        %and3A_645 = arith.andi %ne3A_644, %ne3A_639 : i1
        %add3A_646 = arith.addi %rem3A_637, %select_n3A_636 : i32
        %select_n3A_647 = arith.select %and3A_645, %add3A_646, %rem3A_637 : i32
        %mul3A_648 = arith.constant 16 : i32
        %mul3A_649 = arith.muli %select_n3A_647, %mul3A_648 : i32
        %add3A_650 = arith.addi %mul3A_631, %mul3A_649 : i32
        %add3A_651 = arith.constant 0 : i32
        %add3A_652 = vector.broadcast %add3A_651 : i32 to vector<16xi32>
        %add3A_653 = arith.addi %add3A_598, %add3A_652 : vector<16xi32>
        %gather3A = tpu.vector_load_idx %arg5[%add3A_653] : memref<8192xf32, #tpu.memory_space<vmem>>[vector<16xi32>], vector<16xf32>,
        %add3A_654 = arith.constant 0 : i32
        %add3A_655 = vector.broadcast %add3A_654 : i32 to vector<16xi32>
        %add3A_656 = arith.addi %add3A_605, %add3A_655 : vector<16xi32>
        %gather3A_657 = tpu.vector_load_idx %arg5[%add3A_656] : memref<8192xf32, #tpu.memory_space<vmem>>[vector<16xi32>], vector<16xf32>,
        %mul3A_658 = arith.mulf %gather3A, %gather3A_657 : vector<16xf32>
        %add3A_659 = arith.constant 0 : i32
        %add3A_660 = arith.addi %add3A_650, %add3A_659 : i32
        %swap3A = arith.index_cast %add3A_660 : i32 to index
        %swap3A_661 = tpu.vector_load %arg7[%swap3A] {strides = array<i32>} : memref<32768xf32, #tpu.memory_space<vmem>>, vector<16xf32>,
        tpu.vector_store %arg7[%swap3A], %mul3A_658 {strides = array<i32>} : memref<32768xf32, #tpu.memory_space<vmem>>, vector<16xf32>,
        %add3A_662 = arith.constant 256 : i32
        %add3A_663 = vector.broadcast %add3A_662 : i32 to vector<16xi32>
        %add3A_664 = arith.addi %add3A_598, %add3A_663 : vector<16xi32>
        %gather3A_665 = tpu.vector_load_idx %arg5[%add3A_664] : memref<8192xf32, #tpu.memory_space<vmem>>[vector<16xi32>], vector<16xf32>,
        %add3A_666 = arith.constant 256 : i32
        %add3A_667 = vector.broadcast %add3A_666 : i32 to vector<16xi32>
        %add3A_668 = arith.addi %add3A_605, %add3A_667 : vector<16xi32>
        %gather3A_669 = tpu.vector_load_idx %arg5[%add3A_668] : memref<8192xf32, #tpu.memory_space<vmem>>[vector<16xi32>], vector<16xf32>,
        %mul3A_670 = arith.mulf %gather3A_665, %gather3A_669 : vector<16xf32>
        %add3A_671 = arith.constant 128 : i32
        %add3A_672 = arith.addi %add3A_650, %add3A_671 : i32
        %swap3A_673 = arith.index_cast %add3A_672 : i32 to index
        %swap3A_674 = tpu.vector_load %arg7[%swap3A_673] {strides = array<i32>} : memref<32768xf32, #tpu.memory_space<vmem>>, vector<16xf32>,
        tpu.vector_store %arg7[%swap3A_673], %mul3A_670 {strides = array<i32>} : memref<32768xf32, #tpu.memory_space<vmem>>, vector<16xf32>,
        %add3A_675 = arith.constant 512 : i32
        %add3A_676 = vector.broadcast %add3A_675 : i32 to vector<16xi32>
        %add3A_677 = arith.addi %add3A_598, %add3A_676 : vector<16xi32>
        %gather3A_678 = tpu.vector_load_idx %arg5[%add3A_677] : memref<8192xf32, #tpu.memory_space<vmem>>[vector<16xi32>], vector<16xf32>,
        %add3A_679 = arith.constant 512 : i32
        %add3A_680 = vector.broadcast %add3A_679 : i32 to vector<16xi32>
        %add3A_681 = arith.addi %add3A_605, %add3A_680 : vector<16xi32>
        %gather3A_682 = tpu.vector_load_idx %arg5[%add3A_681] : memref<8192xf32, #tpu.memory_space<vmem>>[vector<16xi32>], vector<16xf32>,
        %mul3A_683 = arith.mulf %gather3A_678, %gather3A_682 : vector<16xf32>
        %add3A_684 = arith.constant 256 : i32
        %add3A_685 = arith.addi %add3A_650, %add3A_684 : i32
        %swap3A_686 = arith.index_cast %add3A_685 : i32 to index
        %swap3A_687 = tpu.vector_load %arg7[%swap3A_686] {strides = array<i32>} : memref<32768xf32, #tpu.memory_space<vmem>>, vector<16xf32>,
        tpu.vector_store %arg7[%swap3A_686], %mul3A_683 {strides = array<i32>} : memref<32768xf32, #tpu.memory_space<vmem>>, vector<16xf32>,
        %add3A_688 = arith.constant 768 : i32
        %add3A_689 = vector.broadcast %add3A_688 : i32 to vector<16xi32>
        %add3A_690 = arith.addi %add3A_598, %add3A_689 : vector<16xi32>
        %gather3A_691 = tpu.vector_load_idx %arg5[%add3A_690] : memref<8192xf32, #tpu.memory_space<vmem>>[vector<16xi32>], vector<16xf32>,
        %add3A_692 = arith.constant 768 : i32
        %add3A_693 = vector.broadcast %add3A_692 : i32 to vector<16xi32>
        %add3A_694 = arith.addi %add3A_605, %add3A_693 : vector<16xi32>
        %gather3A_695 = tpu.vector_load_idx %arg5[%add3A_694] : memref<8192xf32, #tpu.memory_space<vmem>>[vector<16xi32>], vector<16xf32>,
        %mul3A_696 = arith.mulf %gather3A_691, %gather3A_695 : vector<16xf32>
        %add3A_697 = arith.constant 384 : i32
        %add3A_698 = arith.addi %add3A_650, %add3A_697 : i32
        %swap3A_699 = arith.index_cast %add3A_698 : i32 to index
        %swap3A_700 = tpu.vector_load %arg7[%swap3A_699] {strides = array<i32>} : memref<32768xf32, #tpu.memory_space<vmem>>, vector<16xf32>,
        tpu.vector_store %arg7[%swap3A_699], %mul3A_696 {strides = array<i32>} : memref<32768xf32, #tpu.memory_space<vmem>>, vector<16xf32>,
        %add3A_701 = arith.constant 1024 : i32
        %add3A_702 = vector.broadcast %add3A_701 : i32 to vector<16xi32>
        %add3A_703 = arith.addi %add3A_598, %add3A_702 : vector<16xi32>
        %gather3A_704 = tpu.vector_load_idx %arg5[%add3A_703] : memref<8192xf32, #tpu.memory_space<vmem>>[vector<16xi32>], vector<16xf32>,
        %add3A_705 = arith.constant 1024 : i32
        %add3A_706 = vector.broadcast %add3A_705 : i32 to vector<16xi32>
        %add3A_707 = arith.addi %add3A_605, %add3A_706 : vector<16xi32>
        %gather3A_708 = tpu.vector_load_idx %arg5[%add3A_707] : memref<8192xf32, #tpu.memory_space<vmem>>[vector<16xi32>], vector<16xf32>,
        %mul3A_709 = arith.mulf %gather3A_704, %gather3A_708 : vector<16xf32>
        %add3A_710 = arith.constant 512 : i32
        %add3A_711 = arith.addi %add3A_650, %add3A_710 : i32
        %swap3A_712 = arith.index_cast %add3A_711 : i32 to index
        %swap3A_713 = tpu.vector_load %arg7[%swap3A_712] {strides = array<i32>} : memref<32768xf32, #tpu.memory_space<vmem>>, vector<16xf32>,
        tpu.vector_store %arg7[%swap3A_712], %mul3A_709 {strides = array<i32>} : memref<32768xf32, #tpu.memory_space<vmem>>, vector<16xf32>,
        %add3A_714 = arith.constant 1280 : i32
        %add3A_715 = vector.broadcast %add3A_714 : i32 to vector<16xi32>
        %add3A_716 = arith.addi %add3A_598, %add3A_715 : vector<16xi32>
        %gather3A_717 = tpu.vector_load_idx %arg5[%add3A_716] : memref<8192xf32, #tpu.memory_space<vmem>>[vector<16xi32>], vector<16xf32>,
        %add3A_718 = arith.constant 1280 : i32
        %add3A_719 = vector.broadcast %add3A_718 : i32 to vector<16xi32>
        %add3A_720 = arith.addi %add3A_605, %add3A_719 : vector<16xi32>
        %gather3A_721 = tpu.vector_load_idx %arg5[%add3A_720] : memref<8192xf32, #tpu.memory_space<vmem>>[vector<16xi32>], vector<16xf32>,
        %mul3A_722 = arith.mulf %gather3A_717, %gather3A_721 : vector<16xf32>
        %add3A_723 = arith.constant 640 : i32
        %add3A_724 = arith.addi %add3A_650, %add3A_723 : i32
        %swap3A_725 = arith.index_cast %add3A_724 : i32 to index
        %swap3A_726 = tpu.vector_load %arg7[%swap3A_725] {strides = array<i32>} : memref<32768xf32, #tpu.memory_space<vmem>>, vector<16xf32>,
        tpu.vector_store %arg7[%swap3A_725], %mul3A_722 {strides = array<i32>} : memref<32768xf32, #tpu.memory_space<vmem>>, vector<16xf32>,
        %add3A_727 = arith.constant 1536 : i32
        %add3A_728 = vector.broadcast %add3A_727 : i32 to vector<16xi32>
        %add3A_729 = arith.addi %add3A_598, %add3A_728 : vector<16xi32>
        %gather3A_730 = tpu.vector_load_idx %arg5[%add3A_729] : memref<8192xf32, #tpu.memory_space<vmem>>[vector<16xi32>], vector<16xf32>,
        %add3A_731 = arith.constant 1536 : i32
        %add3A_732 = vector.broadcast %add3A_731 : i32 to vector<16xi32>
        %add3A_733 = arith.addi %add3A_605, %add3A_732 : vector<16xi32>
        %gather3A_734 = tpu.vector_load_idx %arg5[%add3A_733] : memref<8192xf32, #tpu.memory_space<vmem>>[vector<16xi32>], vector<16xf32>,
        %mul3A_735 = arith.mulf %gather3A_730, %gather3A_734 : vector<16xf32>
        %add3A_736 = arith.constant 768 : i32
        %add3A_737 = arith.addi %add3A_650, %add3A_736 : i32
        %swap3A_738 = arith.index_cast %add3A_737 : i32 to index
        %swap3A_739 = tpu.vector_load %arg7[%swap3A_738] {strides = array<i32>} : memref<32768xf32, #tpu.memory_space<vmem>>, vector<16xf32>,
        tpu.vector_store %arg7[%swap3A_738], %mul3A_735 {strides = array<i32>} : memref<32768xf32, #tpu.memory_space<vmem>>, vector<16xf32>,
        %add3A_740 = arith.constant 1792 : i32
        %add3A_741 = vector.broadcast %add3A_740 : i32 to vector<16xi32>
        %add3A_742 = arith.addi %add3A_598, %add3A_741 : vector<16xi32>
        %gather3A_743 = tpu.vector_load_idx %arg5[%add3A_742] : memref<8192xf32, #tpu.memory_space<vmem>>[vector<16xi32>], vector<16xf32>,
        %add3A_744 = arith.constant 1792 : i32
        %add3A_745 = vector.broadcast %add3A_744 : i32 to vector<16xi32>
        %add3A_746 = arith.addi %add3A_605, %add3A_745 : vector<16xi32>
        %gather3A_747 = tpu.vector_load_idx %arg5[%add3A_746] : memref<8192xf32, #tpu.memory_space<vmem>>[vector<16xi32>], vector<16xf32>,
        %mul3A_748 = arith.mulf %gather3A_743, %gather3A_747 : vector<16xf32>
        %add3A_749 = arith.constant 896 : i32
        %add3A_750 = arith.addi %add3A_650, %add3A_749 : i32
        %swap3A_751 = arith.index_cast %add3A_750 : i32 to index
        %swap3A_752 = tpu.vector_load %arg7[%swap3A_751] {strides = array<i32>} : memref<32768xf32, #tpu.memory_space<vmem>>, vector<16xf32>,
        tpu.vector_store %arg7[%swap3A_751], %mul3A_748 {strides = array<i32>} : memref<32768xf32, #tpu.memory_space<vmem>>, vector<16xf32>,
      }
      %scan3A_319 = arith.constant 256 : i32
      %add3A_320 = arith.addi %mul3A_4, %select_n3A : i32
      %mul3A_321 = arith.constant 257 : i32
      %mul3A_322 = arith.muli %add3A_320, %mul3A_321 : i32
      %mul3A_323 = arith.constant 32 : i32
      %mul3A_324 = arith.muli %mul3A_305, %mul3A_323 : i32
      %add3A_325 = arith.addi %mul3A_322, %mul3A_324 : i32
      %mul3A_326 = arith.constant 1024 : i32
      %mul3A_327 = arith.muli %add3A_325, %mul3A_326 : i32
      %add3A_328 = arith.constant 0 : i32
      %add3A_329 = arith.addi %mul3A_327, %add3A_328 : i32
      %dma_start3A = arith.constant 0 : i32
      %dma_start3A_330 = tpu.memref_slice %arg7[%dma_start3A] : memref<32768xf32, #tpu.memory_space<vmem>> -> memref<4096xf32, #tpu.memory_space<vmem>>
      %dma_start3A_331 = tpu.memref_slice %arg4[%add3A_329] : memref<33685504xf32, #tpu.memory_space<hbm>> -> memref<4096xf32, #tpu.memory_space<hbm>>
      %dma_start3A_332 = tpu.memref_slice %arg4[%add3A_329] : memref<33685504xf32, #tpu.memory_space<hbm>> -> memref<4096xf32, #tpu.memory_space<hbm>>
      %dma_start3A_333 = arith.constant 0 : i32
      %dma_start3A_334 = tpu.memref_slice %arg7[%dma_start3A_333] : memref<32768xf32, #tpu.memory_space<vmem>> -> memref<4096xf32, #tpu.memory_space<vmem>>
      tpu.enqueue_dma source(%dma_start3A_334 : memref<4096xf32, #tpu.memory_space<vmem>>) target(%dma_start3A_332 : memref<4096xf32, #tpu.memory_space<hbm>>) target_semaphore(%arg10 : memref<!tpu.dma_semaphore, #tpu.memory_space<semaphore_mem>>)
      %add3A_335 = arith.addi %mul3A_4, %select_n3A : i32
      %mul3A_336 = arith.constant 257 : i32
      %mul3A_337 = arith.muli %add3A_335, %mul3A_336 : i32
      %mul3A_338 = arith.constant 32 : i32
      %mul3A_339 = arith.muli %mul3A_305, %mul3A_338 : i32
      %add3A_340 = arith.addi %mul3A_337, %mul3A_339 : i32
      %mul3A_341 = arith.constant 1024 : i32
      %mul3A_342 = arith.muli %add3A_340, %mul3A_341 : i32
      %add3A_343 = arith.constant 4096 : i32
      %add3A_344 = arith.addi %mul3A_342, %add3A_343 : i32
      %dma_start3A_345 = arith.constant 4096 : i32
      %dma_start3A_346 = tpu.memref_slice %arg7[%dma_start3A_345] : memref<32768xf32, #tpu.memory_space<vmem>> -> memref<4096xf32, #tpu.memory_space<vmem>>
      %dma_start3A_347 = tpu.memref_slice %arg4[%add3A_344] : memref<33685504xf32, #tpu.memory_space<hbm>> -> memref<4096xf32, #tpu.memory_space<hbm>>
      %dma_start3A_348 = tpu.memref_slice %arg4[%add3A_344] : memref<33685504xf32, #tpu.memory_space<hbm>> -> memref<4096xf32, #tpu.memory_space<hbm>>
      %dma_start3A_349 = arith.constant 4096 : i32
      %dma_start3A_350 = tpu.memref_slice %arg7[%dma_start3A_349] : memref<32768xf32, #tpu.memory_space<vmem>> -> memref<4096xf32, #tpu.memory_space<vmem>>
      tpu.enqueue_dma source(%dma_start3A_350 : memref<4096xf32, #tpu.memory_space<vmem>>) target(%dma_start3A_348 : memref<4096xf32, #tpu.memory_space<hbm>>) target_semaphore(%arg10 : memref<!tpu.dma_semaphore, #tpu.memory_space<semaphore_mem>>)
      %add3A_351 = arith.addi %mul3A_4, %select_n3A : i32
      %mul3A_352 = arith.constant 257 : i32
      %mul3A_353 = arith.muli %add3A_351, %mul3A_352 : i32
      %mul3A_354 = arith.constant 32 : i32
      %mul3A_355 = arith.muli %mul3A_305, %mul3A_354 : i32
      %add3A_356 = arith.addi %mul3A_353, %mul3A_355 : i32
      %mul3A_357 = arith.constant 1024 : i32
      %mul3A_358 = arith.muli %add3A_356, %mul3A_357 : i32
      %add3A_359 = arith.constant 8192 : i32
      %add3A_360 = arith.addi %mul3A_358, %add3A_359 : i32
      %dma_start3A_361 = arith.constant 8192 : i32
      %dma_start3A_362 = tpu.memref_slice %arg7[%dma_start3A_361] : memref<32768xf32, #tpu.memory_space<vmem>> -> memref<4096xf32, #tpu.memory_space<vmem>>
      %dma_start3A_363 = tpu.memref_slice %arg4[%add3A_360] : memref<33685504xf32, #tpu.memory_space<hbm>> -> memref<4096xf32, #tpu.memory_space<hbm>>
      %dma_start3A_364 = tpu.memref_slice %arg4[%add3A_360] : memref<33685504xf32, #tpu.memory_space<hbm>> -> memref<4096xf32, #tpu.memory_space<hbm>>
      %dma_start3A_365 = arith.constant 8192 : i32
      %dma_start3A_366 = tpu.memref_slice %arg7[%dma_start3A_365] : memref<32768xf32, #tpu.memory_space<vmem>> -> memref<4096xf32, #tpu.memory_space<vmem>>
      tpu.enqueue_dma source(%dma_start3A_366 : memref<4096xf32, #tpu.memory_space<vmem>>) target(%dma_start3A_364 : memref<4096xf32, #tpu.memory_space<hbm>>) target_semaphore(%arg10 : memref<!tpu.dma_semaphore, #tpu.memory_space<semaphore_mem>>)
      %add3A_367 = arith.addi %mul3A_4, %select_n3A : i32
      %mul3A_368 = arith.constant 257 : i32
      %mul3A_369 = arith.muli %add3A_367, %mul3A_368 : i32
      %mul3A_370 = arith.constant 32 : i32
      %mul3A_371 = arith.muli %mul3A_305, %mul3A_370 : i32
      %add3A_372 = arith.addi %mul3A_369, %mul3A_371 : i32
      %mul3A_373 = arith.constant 1024 : i32
      %mul3A_374 = arith.muli %add3A_372, %mul3A_373 : i32
      %add3A_375 = arith.constant 12288 : i32
      %add3A_376 = arith.addi %mul3A_374, %add3A_375 : i32
      %dma_start3A_377 = arith.constant 12288 : i32
      %dma_start3A_378 = tpu.memref_slice %arg7[%dma_start3A_377] : memref<32768xf32, #tpu.memory_space<vmem>> -> memref<4096xf32, #tpu.memory_space<vmem>>
      %dma_start3A_379 = tpu.memref_slice %arg4[%add3A_376] : memref<33685504xf32, #tpu.memory_space<hbm>> -> memref<4096xf32, #tpu.memory_space<hbm>>
      %dma_start3A_380 = tpu.memref_slice %arg4[%add3A_376] : memref<33685504xf32, #tpu.memory_space<hbm>> -> memref<4096xf32, #tpu.memory_space<hbm>>
      %dma_start3A_381 = arith.constant 12288 : i32
      %dma_start3A_382 = tpu.memref_slice %arg7[%dma_start3A_381] : memref<32768xf32, #tpu.memory_space<vmem>> -> memref<4096xf32, #tpu.memory_space<vmem>>
      tpu.enqueue_dma source(%dma_start3A_382 : memref<4096xf32, #tpu.memory_space<vmem>>) target(%dma_start3A_380 : memref<4096xf32, #tpu.memory_space<hbm>>) target_semaphore(%arg10 : memref<!tpu.dma_semaphore, #tpu.memory_space<semaphore_mem>>)
      %add3A_383 = arith.addi %mul3A_4, %select_n3A : i32
      %mul3A_384 = arith.constant 257 : i32
      %mul3A_385 = arith.muli %add3A_383, %mul3A_384 : i32
      %mul3A_386 = arith.constant 32 : i32
      %mul3A_387 = arith.muli %mul3A_305, %mul3A_386 : i32
      %add3A_388 = arith.addi %mul3A_385, %mul3A_387 : i32
      %mul3A_389 = arith.constant 1024 : i32
      %mul3A_390 = arith.muli %add3A_388, %mul3A_389 : i32
      %add3A_391 = arith.constant 16384 : i32
      %add3A_392 = arith.addi %mul3A_390, %add3A_391 : i32
      %dma_start3A_393 = arith.constant 16384 : i32
      %dma_start3A_394 = tpu.memref_slice %arg7[%dma_start3A_393] : memref<32768xf32, #tpu.memory_space<vmem>> -> memref<4096xf32, #tpu.memory_space<vmem>>
      %dma_start3A_395 = tpu.memref_slice %arg4[%add3A_392] : memref<33685504xf32, #tpu.memory_space<hbm>> -> memref<4096xf32, #tpu.memory_space<hbm>>
      %dma_start3A_396 = tpu.memref_slice %arg4[%add3A_392] : memref<33685504xf32, #tpu.memory_space<hbm>> -> memref<4096xf32, #tpu.memory_space<hbm>>
      %dma_start3A_397 = arith.constant 16384 : i32
      %dma_start3A_398 = tpu.memref_slice %arg7[%dma_start3A_397] : memref<32768xf32, #tpu.memory_space<vmem>> -> memref<4096xf32, #tpu.memory_space<vmem>>
      tpu.enqueue_dma source(%dma_start3A_398 : memref<4096xf32, #tpu.memory_space<vmem>>) target(%dma_start3A_396 : memref<4096xf32, #tpu.memory_space<hbm>>) target_semaphore(%arg10 : memref<!tpu.dma_semaphore, #tpu.memory_space<semaphore_mem>>)
      %add3A_399 = arith.addi %mul3A_4, %select_n3A : i32
      %mul3A_400 = arith.constant 257 : i32
      %mul3A_401 = arith.muli %add3A_399, %mul3A_400 : i32
      %mul3A_402 = arith.constant 32 : i32
      %mul3A_403 = arith.muli %mul3A_305, %mul3A_402 : i32
      %add3A_404 = arith.addi %mul3A_401, %mul3A_403 : i32
      %mul3A_405 = arith.constant 1024 : i32
      %mul3A_406 = arith.muli %add3A_404, %mul3A_405 : i32
      %add3A_407 = arith.constant 20480 : i32
      %add3A_408 = arith.addi %mul3A_406, %add3A_407 : i32
      %dma_start3A_409 = arith.constant 20480 : i32
      %dma_start3A_410 = tpu.memref_slice %arg7[%dma_start3A_409] : memref<32768xf32, #tpu.memory_space<vmem>> -> memref<4096xf32, #tpu.memory_space<vmem>>
      %dma_start3A_411 = tpu.memref_slice %arg4[%add3A_408] : memref<33685504xf32, #tpu.memory_space<hbm>> -> memref<4096xf32, #tpu.memory_space<hbm>>
      %dma_start3A_412 = tpu.memref_slice %arg4[%add3A_408] : memref<33685504xf32, #tpu.memory_space<hbm>> -> memref<4096xf32, #tpu.memory_space<hbm>>
      %dma_start3A_413 = arith.constant 20480 : i32
      %dma_start3A_414 = tpu.memref_slice %arg7[%dma_start3A_413] : memref<32768xf32, #tpu.memory_space<vmem>> -> memref<4096xf32, #tpu.memory_space<vmem>>
      tpu.enqueue_dma source(%dma_start3A_414 : memref<4096xf32, #tpu.memory_space<vmem>>) target(%dma_start3A_412 : memref<4096xf32, #tpu.memory_space<hbm>>) target_semaphore(%arg10 : memref<!tpu.dma_semaphore, #tpu.memory_space<semaphore_mem>>)
      %add3A_415 = arith.addi %mul3A_4, %select_n3A : i32
      %mul3A_416 = arith.constant 257 : i32
      %mul3A_417 = arith.muli %add3A_415, %mul3A_416 : i32
      %mul3A_418 = arith.constant 32 : i32
      %mul3A_419 = arith.muli %mul3A_305, %mul3A_418 : i32
      %add3A_420 = arith.addi %mul3A_417, %mul3A_419 : i32
      %mul3A_421 = arith.constant 1024 : i32
      %mul3A_422 = arith.muli %add3A_420, %mul3A_421 : i32
      %add3A_423 = arith.constant 24576 : i32
      %add3A_424 = arith.addi %mul3A_422, %add3A_423 : i32
      %dma_start3A_425 = arith.constant 24576 : i32
      %dma_start3A_426 = tpu.memref_slice %arg7[%dma_start3A_425] : memref<32768xf32, #tpu.memory_space<vmem>> -> memref<4096xf32, #tpu.memory_space<vmem>>
      %dma_start3A_427 = tpu.memref_slice %arg4[%add3A_424] : memref<33685504xf32, #tpu.memory_space<hbm>> -> memref<4096xf32, #tpu.memory_space<hbm>>
      %dma_start3A_428 = tpu.memref_slice %arg4[%add3A_424] : memref<33685504xf32, #tpu.memory_space<hbm>> -> memref<4096xf32, #tpu.memory_space<hbm>>
      %dma_start3A_429 = arith.constant 24576 : i32
      %dma_start3A_430 = tpu.memref_slice %arg7[%dma_start3A_429] : memref<32768xf32, #tpu.memory_space<vmem>> -> memref<4096xf32, #tpu.memory_space<vmem>>
      tpu.enqueue_dma source(%dma_start3A_430 : memref<4096xf32, #tpu.memory_space<vmem>>) target(%dma_start3A_428 : memref<4096xf32, #tpu.memory_space<hbm>>) target_semaphore(%arg10 : memref<!tpu.dma_semaphore, #tpu.memory_space<semaphore_mem>>)
      %add3A_431 = arith.addi %mul3A_4, %select_n3A : i32
      %mul3A_432 = arith.constant 257 : i32
      %mul3A_433 = arith.muli %add3A_431, %mul3A_432 : i32
      %mul3A_434 = arith.constant 32 : i32
      %mul3A_435 = arith.muli %mul3A_305, %mul3A_434 : i32
      %add3A_436 = arith.addi %mul3A_433, %mul3A_435 : i32
      %mul3A_437 = arith.constant 1024 : i32
      %mul3A_438 = arith.muli %add3A_436, %mul3A_437 : i32
      %add3A_439 = arith.constant 28672 : i32
      %add3A_440 = arith.addi %mul3A_438, %add3A_439 : i32
      %dma_start3A_441 = arith.constant 28672 : i32
      %dma_start3A_442 = tpu.memref_slice %arg7[%dma_start3A_441] : memref<32768xf32, #tpu.memory_space<vmem>> -> memref<4096xf32, #tpu.memory_space<vmem>>
      %dma_start3A_443 = tpu.memref_slice %arg4[%add3A_440] : memref<33685504xf32, #tpu.memory_space<hbm>> -> memref<4096xf32, #tpu.memory_space<hbm>>
      %dma_start3A_444 = tpu.memref_slice %arg4[%add3A_440] : memref<33685504xf32, #tpu.memory_space<hbm>> -> memref<4096xf32, #tpu.memory_space<hbm>>
      %dma_start3A_445 = arith.constant 28672 : i32
      %dma_start3A_446 = tpu.memref_slice %arg7[%dma_start3A_445] : memref<32768xf32, #tpu.memory_space<vmem>> -> memref<4096xf32, #tpu.memory_space<vmem>>
      tpu.enqueue_dma source(%dma_start3A_446 : memref<4096xf32, #tpu.memory_space<vmem>>) target(%dma_start3A_444 : memref<4096xf32, #tpu.memory_space<hbm>>) target_semaphore(%arg10 : memref<!tpu.dma_semaphore, #tpu.memory_space<semaphore_mem>>)
      %gt3A_447 = arith.constant 0 : i32
      %gt3A_448 = arith.cmpi sgt, %scan3A_273, %gt3A_447 : i32
      %convert_element_type3A_449 = arith.extui %gt3A_448 : i1 to i32
      %cond3A_450 = arith.constant 0 : i32
      %cond3A_451 = arith.cmpi ne, %convert_element_type3A_449, %cond3A_450 : i32
      scf.if %cond3A_451 {
        %add3A_588 = arith.addi %mul3A_4, %select_n3A : i32
        %mul3A_589 = arith.constant 257 : i32
        %mul3A_590 = arith.muli %add3A_588, %mul3A_589 : i32
        %mul3A_591 = arith.constant 32 : i32
        %mul3A_592 = arith.muli %add3A_309, %mul3A_591 : i32
        %add3A_593 = arith.addi %mul3A_590, %mul3A_592 : i32
        %mul3A_594 = arith.constant 1024 : i32
        %mul3A_595 = arith.muli %add3A_593, %mul3A_594 : i32
        %add3A_596 = arith.constant 0 : i32
        %add3A_597 = arith.addi %mul3A_595, %add3A_596 : i32
        %dma_wait3A_598 = arith.constant 0 : i32
        %dma_wait3A_599 = tpu.memref_slice %arg8[%dma_wait3A_598] : memref<32768xf32, #tpu.memory_space<vmem>> -> memref<4096xf32, #tpu.memory_space<vmem>>
        %dma_wait3A_600 = tpu.memref_slice %arg4[%add3A_597] : memref<33685504xf32, #tpu.memory_space<hbm>> -> memref<4096xf32, #tpu.memory_space<hbm>>
        %dma_wait3A_601 = tpu.memref_slice %arg4[%add3A_597] : memref<33685504xf32, #tpu.memory_space<hbm>> -> memref<4096xf32, #tpu.memory_space<hbm>>
        %dma_wait3A_602 = arith.constant 0 : i32
        %dma_wait3A_603 = tpu.memref_slice %arg8[%dma_wait3A_602] : memref<32768xf32, #tpu.memory_space<vmem>> -> memref<4096xf32, #tpu.memory_space<vmem>>
        tpu.wait_dma2 semaphore(%arg11 : memref<!tpu.dma_semaphore, #tpu.memory_space<semaphore_mem>>) src(%dma_wait3A_603 : memref<4096xf32, #tpu.memory_space<vmem>>) dst(%dma_wait3A_601 : memref<4096xf32, #tpu.memory_space<hbm>>)
        %add3A_604 = arith.addi %mul3A_4, %select_n3A : i32
        %mul3A_605 = arith.constant 257 : i32
        %mul3A_606 = arith.muli %add3A_604, %mul3A_605 : i32
        %mul3A_607 = arith.constant 32 : i32
        %mul3A_608 = arith.muli %add3A_309, %mul3A_607 : i32
        %add3A_609 = arith.addi %mul3A_606, %mul3A_608 : i32
        %mul3A_610 = arith.constant 1024 : i32
        %mul3A_611 = arith.muli %add3A_609, %mul3A_610 : i32
        %add3A_612 = arith.constant 4096 : i32
        %add3A_613 = arith.addi %mul3A_611, %add3A_612 : i32
        %dma_wait3A_614 = arith.constant 4096 : i32
        %dma_wait3A_615 = tpu.memref_slice %arg8[%dma_wait3A_614] : memref<32768xf32, #tpu.memory_space<vmem>> -> memref<4096xf32, #tpu.memory_space<vmem>>
        %dma_wait3A_616 = tpu.memref_slice %arg4[%add3A_613] : memref<33685504xf32, #tpu.memory_space<hbm>> -> memref<4096xf32, #tpu.memory_space<hbm>>
        %dma_wait3A_617 = tpu.memref_slice %arg4[%add3A_613] : memref<33685504xf32, #tpu.memory_space<hbm>> -> memref<4096xf32, #tpu.memory_space<hbm>>
        %dma_wait3A_618 = arith.constant 4096 : i32
        %dma_wait3A_619 = tpu.memref_slice %arg8[%dma_wait3A_618] : memref<32768xf32, #tpu.memory_space<vmem>> -> memref<4096xf32, #tpu.memory_space<vmem>>
        tpu.wait_dma2 semaphore(%arg11 : memref<!tpu.dma_semaphore, #tpu.memory_space<semaphore_mem>>) src(%dma_wait3A_619 : memref<4096xf32, #tpu.memory_space<vmem>>) dst(%dma_wait3A_617 : memref<4096xf32, #tpu.memory_space<hbm>>)
        %add3A_620 = arith.addi %mul3A_4, %select_n3A : i32
        %mul3A_621 = arith.constant 257 : i32
        %mul3A_622 = arith.muli %add3A_620, %mul3A_621 : i32
        %mul3A_623 = arith.constant 32 : i32
        %mul3A_624 = arith.muli %add3A_309, %mul3A_623 : i32
        %add3A_625 = arith.addi %mul3A_622, %mul3A_624 : i32
        %mul3A_626 = arith.constant 1024 : i32
        %mul3A_627 = arith.muli %add3A_625, %mul3A_626 : i32
        %add3A_628 = arith.constant 8192 : i32
        %add3A_629 = arith.addi %mul3A_627, %add3A_628 : i32
        %dma_wait3A_630 = arith.constant 8192 : i32
        %dma_wait3A_631 = tpu.memref_slice %arg8[%dma_wait3A_630] : memref<32768xf32, #tpu.memory_space<vmem>> -> memref<4096xf32, #tpu.memory_space<vmem>>
        %dma_wait3A_632 = tpu.memref_slice %arg4[%add3A_629] : memref<33685504xf32, #tpu.memory_space<hbm>> -> memref<4096xf32, #tpu.memory_space<hbm>>
        %dma_wait3A_633 = tpu.memref_slice %arg4[%add3A_629] : memref<33685504xf32, #tpu.memory_space<hbm>> -> memref<4096xf32, #tpu.memory_space<hbm>>
        %dma_wait3A_634 = arith.constant 8192 : i32
        %dma_wait3A_635 = tpu.memref_slice %arg8[%dma_wait3A_634] : memref<32768xf32, #tpu.memory_space<vmem>> -> memref<4096xf32, #tpu.memory_space<vmem>>
        tpu.wait_dma2 semaphore(%arg11 : memref<!tpu.dma_semaphore, #tpu.memory_space<semaphore_mem>>) src(%dma_wait3A_635 : memref<4096xf32, #tpu.memory_space<vmem>>) dst(%dma_wait3A_633 : memref<4096xf32, #tpu.memory_space<hbm>>)
        %add3A_636 = arith.addi %mul3A_4, %select_n3A : i32
        %mul3A_637 = arith.constant 257 : i32
        %mul3A_638 = arith.muli %add3A_636, %mul3A_637 : i32
        %mul3A_639 = arith.constant 32 : i32
        %mul3A_640 = arith.muli %add3A_309, %mul3A_639 : i32
        %add3A_641 = arith.addi %mul3A_638, %mul3A_640 : i32
        %mul3A_642 = arith.constant 1024 : i32
        %mul3A_643 = arith.muli %add3A_641, %mul3A_642 : i32
        %add3A_644 = arith.constant 12288 : i32
        %add3A_645 = arith.addi %mul3A_643, %add3A_644 : i32
        %dma_wait3A_646 = arith.constant 12288 : i32
        %dma_wait3A_647 = tpu.memref_slice %arg8[%dma_wait3A_646] : memref<32768xf32, #tpu.memory_space<vmem>> -> memref<4096xf32, #tpu.memory_space<vmem>>
        %dma_wait3A_648 = tpu.memref_slice %arg4[%add3A_645] : memref<33685504xf32, #tpu.memory_space<hbm>> -> memref<4096xf32, #tpu.memory_space<hbm>>
        %dma_wait3A_649 = tpu.memref_slice %arg4[%add3A_645] : memref<33685504xf32, #tpu.memory_space<hbm>> -> memref<4096xf32, #tpu.memory_space<hbm>>
        %dma_wait3A_650 = arith.constant 12288 : i32
        %dma_wait3A_651 = tpu.memref_slice %arg8[%dma_wait3A_650] : memref<32768xf32, #tpu.memory_space<vmem>> -> memref<4096xf32, #tpu.memory_space<vmem>>
        tpu.wait_dma2 semaphore(%arg11 : memref<!tpu.dma_semaphore, #tpu.memory_space<semaphore_mem>>) src(%dma_wait3A_651 : memref<4096xf32, #tpu.memory_space<vmem>>) dst(%dma_wait3A_649 : memref<4096xf32, #tpu.memory_space<hbm>>)
        %add3A_652 = arith.addi %mul3A_4, %select_n3A : i32
        %mul3A_653 = arith.constant 257 : i32
        %mul3A_654 = arith.muli %add3A_652, %mul3A_653 : i32
        %mul3A_655 = arith.constant 32 : i32
        %mul3A_656 = arith.muli %add3A_309, %mul3A_655 : i32
        %add3A_657 = arith.addi %mul3A_654, %mul3A_656 : i32
        %mul3A_658 = arith.constant 1024 : i32
        %mul3A_659 = arith.muli %add3A_657, %mul3A_658 : i32
        %add3A_660 = arith.constant 16384 : i32
        %add3A_661 = arith.addi %mul3A_659, %add3A_660 : i32
        %dma_wait3A_662 = arith.constant 16384 : i32
        %dma_wait3A_663 = tpu.memref_slice %arg8[%dma_wait3A_662] : memref<32768xf32, #tpu.memory_space<vmem>> -> memref<4096xf32, #tpu.memory_space<vmem>>
        %dma_wait3A_664 = tpu.memref_slice %arg4[%add3A_661] : memref<33685504xf32, #tpu.memory_space<hbm>> -> memref<4096xf32, #tpu.memory_space<hbm>>
        %dma_wait3A_665 = tpu.memref_slice %arg4[%add3A_661] : memref<33685504xf32, #tpu.memory_space<hbm>> -> memref<4096xf32, #tpu.memory_space<hbm>>
        %dma_wait3A_666 = arith.constant 16384 : i32
        %dma_wait3A_667 = tpu.memref_slice %arg8[%dma_wait3A_666] : memref<32768xf32, #tpu.memory_space<vmem>> -> memref<4096xf32, #tpu.memory_space<vmem>>
        tpu.wait_dma2 semaphore(%arg11 : memref<!tpu.dma_semaphore, #tpu.memory_space<semaphore_mem>>) src(%dma_wait3A_667 : memref<4096xf32, #tpu.memory_space<vmem>>) dst(%dma_wait3A_665 : memref<4096xf32, #tpu.memory_space<hbm>>)
        %add3A_668 = arith.addi %mul3A_4, %select_n3A : i32
        %mul3A_669 = arith.constant 257 : i32
        %mul3A_670 = arith.muli %add3A_668, %mul3A_669 : i32
        %mul3A_671 = arith.constant 32 : i32
        %mul3A_672 = arith.muli %add3A_309, %mul3A_671 : i32
        %add3A_673 = arith.addi %mul3A_670, %mul3A_672 : i32
        %mul3A_674 = arith.constant 1024 : i32
        %mul3A_675 = arith.muli %add3A_673, %mul3A_674 : i32
        %add3A_676 = arith.constant 20480 : i32
        %add3A_677 = arith.addi %mul3A_675, %add3A_676 : i32
        %dma_wait3A_678 = arith.constant 20480 : i32
        %dma_wait3A_679 = tpu.memref_slice %arg8[%dma_wait3A_678] : memref<32768xf32, #tpu.memory_space<vmem>> -> memref<4096xf32, #tpu.memory_space<vmem>>
        %dma_wait3A_680 = tpu.memref_slice %arg4[%add3A_677] : memref<33685504xf32, #tpu.memory_space<hbm>> -> memref<4096xf32, #tpu.memory_space<hbm>>
        %dma_wait3A_681 = tpu.memref_slice %arg4[%add3A_677] : memref<33685504xf32, #tpu.memory_space<hbm>> -> memref<4096xf32, #tpu.memory_space<hbm>>
        %dma_wait3A_682 = arith.constant 20480 : i32
        %dma_wait3A_683 = tpu.memref_slice %arg8[%dma_wait3A_682] : memref<32768xf32, #tpu.memory_space<vmem>> -> memref<4096xf32, #tpu.memory_space<vmem>>
        tpu.wait_dma2 semaphore(%arg11 : memref<!tpu.dma_semaphore, #tpu.memory_space<semaphore_mem>>) src(%dma_wait3A_683 : memref<4096xf32, #tpu.memory_space<vmem>>) dst(%dma_wait3A_681 : memref<4096xf32, #tpu.memory_space<hbm>>)
        %add3A_684 = arith.addi %mul3A_4, %select_n3A : i32
        %mul3A_685 = arith.constant 257 : i32
        %mul3A_686 = arith.muli %add3A_684, %mul3A_685 : i32
        %mul3A_687 = arith.constant 32 : i32
        %mul3A_688 = arith.muli %add3A_309, %mul3A_687 : i32
        %add3A_689 = arith.addi %mul3A_686, %mul3A_688 : i32
        %mul3A_690 = arith.constant 1024 : i32
        %mul3A_691 = arith.muli %add3A_689, %mul3A_690 : i32
        %add3A_692 = arith.constant 24576 : i32
        %add3A_693 = arith.addi %mul3A_691, %add3A_692 : i32
        %dma_wait3A_694 = arith.constant 24576 : i32
        %dma_wait3A_695 = tpu.memref_slice %arg8[%dma_wait3A_694] : memref<32768xf32, #tpu.memory_space<vmem>> -> memref<4096xf32, #tpu.memory_space<vmem>>
        %dma_wait3A_696 = tpu.memref_slice %arg4[%add3A_693] : memref<33685504xf32, #tpu.memory_space<hbm>> -> memref<4096xf32, #tpu.memory_space<hbm>>
        %dma_wait3A_697 = tpu.memref_slice %arg4[%add3A_693] : memref<33685504xf32, #tpu.memory_space<hbm>> -> memref<4096xf32, #tpu.memory_space<hbm>>
        %dma_wait3A_698 = arith.constant 24576 : i32
        %dma_wait3A_699 = tpu.memref_slice %arg8[%dma_wait3A_698] : memref<32768xf32, #tpu.memory_space<vmem>> -> memref<4096xf32, #tpu.memory_space<vmem>>
        tpu.wait_dma2 semaphore(%arg11 : memref<!tpu.dma_semaphore, #tpu.memory_space<semaphore_mem>>) src(%dma_wait3A_699 : memref<4096xf32, #tpu.memory_space<vmem>>) dst(%dma_wait3A_697 : memref<4096xf32, #tpu.memory_space<hbm>>)
        %add3A_700 = arith.addi %mul3A_4, %select_n3A : i32
        %mul3A_701 = arith.constant 257 : i32
        %mul3A_702 = arith.muli %add3A_700, %mul3A_701 : i32
        %mul3A_703 = arith.constant 32 : i32
        %mul3A_704 = arith.muli %add3A_309, %mul3A_703 : i32
        %add3A_705 = arith.addi %mul3A_702, %mul3A_704 : i32
        %mul3A_706 = arith.constant 1024 : i32
        %mul3A_707 = arith.muli %add3A_705, %mul3A_706 : i32
        %add3A_708 = arith.constant 28672 : i32
        %add3A_709 = arith.addi %mul3A_707, %add3A_708 : i32
        %dma_wait3A_710 = arith.constant 28672 : i32
        %dma_wait3A_711 = tpu.memref_slice %arg8[%dma_wait3A_710] : memref<32768xf32, #tpu.memory_space<vmem>> -> memref<4096xf32, #tpu.memory_space<vmem>>
        %dma_wait3A_712 = tpu.memref_slice %arg4[%add3A_709] : memref<33685504xf32, #tpu.memory_space<hbm>> -> memref<4096xf32, #tpu.memory_space<hbm>>
        %dma_wait3A_713 = tpu.memref_slice %arg4[%add3A_709] : memref<33685504xf32, #tpu.memory_space<hbm>> -> memref<4096xf32, #tpu.memory_space<hbm>>
        %dma_wait3A_714 = arith.constant 28672 : i32
        %dma_wait3A_715 = tpu.memref_slice %arg8[%dma_wait3A_714] : memref<32768xf32, #tpu.memory_space<vmem>> -> memref<4096xf32, #tpu.memory_space<vmem>>
        tpu.wait_dma2 semaphore(%arg11 : memref<!tpu.dma_semaphore, #tpu.memory_space<semaphore_mem>>) src(%dma_wait3A_715 : memref<4096xf32, #tpu.memory_space<vmem>>) dst(%dma_wait3A_713 : memref<4096xf32, #tpu.memory_space<hbm>>)
      } else {
      }
      %mul3A_452 = arith.constant 4096 : i32
      %mul3A_453 = arith.muli %add3A_309, %mul3A_452 : i32
      %scan3A_454 = arith.constant 0 : i32
      %scan3A_455 = arith.constant 0 : i32
      %scan3A_456 = arith.constant 256 : i32
      %scan3A_457 = arith.addi %scan3A_455, %scan3A_456 : i32
      %scan3A_458 = arith.constant 1 : i32
      scf.for %scan3A_588 = %scan3A_455 to %scan3A_457 step %scan3A_458  : i32 {
        %mul3A_589 = arith.constant 16 : i32
        %mul3A_590 = arith.muli %scan3A_588, %mul3A_589 : i32
        %add3A_591 = arith.addi %mul3A_453, %mul3A_590 : i32
        %get3A = arith.index_cast %add3A_591 : i32 to index
        %get3A_592 = tpu.vector_load %arg6[%get3A] {strides = array<i32>} : memref<32896xi32, #tpu.memory_space<vmem>>, vector<16xi32>,
        %shift_right_arithmetic3A = arith.constant 8 : i32
        %shift_right_arithmetic3A_593 = vector.broadcast %shift_right_arithmetic3A : i32 to vector<16xi32>
        %shift_right_arithmetic3A_594 = arith.shrsi %get3A_592, %shift_right_arithmetic3A_593 : vector<16xi32>
        %mul3A_595 = arith.constant 2048 : i32
        %mul3A_596 = arith.muli %select_n3A, %mul3A_595 : i32
        %add3A_597 = vector.broadcast %mul3A_596 : i32 to vector<16xi32>
        %add3A_598 = arith.addi %shift_right_arithmetic3A_594, %add3A_597 : vector<16xi32>
        %and3A_599 = arith.constant 255 : i32
        %and3A_600 = vector.broadcast %and3A_599 : i32 to vector<16xi32>
        %and3A_601 = arith.andi %get3A_592, %and3A_600 : vector<16xi32>
        %mul3A_602 = arith.constant 2048 : i32
        %mul3A_603 = arith.muli %select_n3A, %mul3A_602 : i32
        %add3A_604 = vector.broadcast %mul3A_603 : i32 to vector<16xi32>
        %add3A_605 = arith.addi %and3A_601, %add3A_604 : vector<16xi32>
        %jit3A_606 = arith.constant 8 : i32
        %div3A_607 = arith.divsi %scan3A_588, %jit3A_606 : i32
        %sign3A_608 = arith.constant 0 : i32
        %sign3A_609 = arith.cmpi sgt, %scan3A_588, %sign3A_608 : i32
        %sign3A_610 = arith.extui %sign3A_609 : i1 to i32
        %sign3A_611 = arith.constant 0 : i32
        %sign3A_612 = arith.cmpi slt, %scan3A_588, %sign3A_611 : i32
        %sign3A_613 = arith.extui %sign3A_612 : i1 to i32
        %sign3A_614 = arith.subi %sign3A_610, %sign3A_613 : i32
        %sign3A_615 = arith.constant 0 : i32
        %sign3A_616 = arith.cmpi sgt, %jit3A_606, %sign3A_615 : i32
        %sign3A_617 = arith.extui %sign3A_616 : i1 to i32
        %sign3A_618 = arith.constant 0 : i32
        %sign3A_619 = arith.cmpi slt, %jit3A_606, %sign3A_618 : i32
        %sign3A_620 = arith.extui %sign3A_619 : i1 to i32
        %sign3A_621 = arith.subi %sign3A_617, %sign3A_620 : i32
        %ne3A_622 = arith.cmpi ne, %sign3A_614, %sign3A_621 : i32
        %rem3A_623 = arith.remsi %scan3A_588, %jit3A_606 : i32
        %ne3A_624 = arith.constant 0 : i32
        %ne3A_625 = arith.cmpi ne, %rem3A_623, %ne3A_624 : i32
        %and3A_626 = arith.andi %ne3A_622, %ne3A_625 : i1
        %sub3A_627 = arith.constant 1 : i32
        %sub3A_628 = arith.subi %div3A_607, %sub3A_627 : i32
        %select_n3A_629 = arith.select %and3A_626, %sub3A_628, %div3A_607 : i32
        %mul3A_630 = arith.constant 1024 : i32
        %mul3A_631 = arith.muli %select_n3A_629, %mul3A_630 : i32
        %jit3A_632 = arith.constant 8 : i32
        %eq3A_633 = arith.constant 0 : i32
        %eq3A_634 = arith.cmpi eq, %jit3A_632, %eq3A_633 : i32
        %jit3A_635 = arith.constant 1 : i32
        %select_n3A_636 = arith.select %eq3A_634, %jit3A_635, %jit3A_632 : i32
        %rem3A_637 = arith.remsi %scan3A_588, %select_n3A_636 : i32
        %ne3A_638 = arith.constant 0 : i32
        %ne3A_639 = arith.cmpi ne, %rem3A_637, %ne3A_638 : i32
        %lt3A_640 = arith.constant 0 : i32
        %lt3A_641 = arith.cmpi slt, %rem3A_637, %lt3A_640 : i32
        %lt3A_642 = arith.constant 0 : i32
        %lt3A_643 = arith.cmpi slt, %select_n3A_636, %lt3A_642 : i32
        %ne3A_644 = arith.xori %lt3A_641, %lt3A_643 : i1
        %and3A_645 = arith.andi %ne3A_644, %ne3A_639 : i1
        %add3A_646 = arith.addi %rem3A_637, %select_n3A_636 : i32
        %select_n3A_647 = arith.select %and3A_645, %add3A_646, %rem3A_637 : i32
        %mul3A_648 = arith.constant 16 : i32
        %mul3A_649 = arith.muli %select_n3A_647, %mul3A_648 : i32
        %add3A_650 = arith.addi %mul3A_631, %mul3A_649 : i32
        %add3A_651 = arith.constant 0 : i32
        %add3A_652 = vector.broadcast %add3A_651 : i32 to vector<16xi32>
        %add3A_653 = arith.addi %add3A_598, %add3A_652 : vector<16xi32>
        %gather3A = tpu.vector_load_idx %arg5[%add3A_653] : memref<8192xf32, #tpu.memory_space<vmem>>[vector<16xi32>], vector<16xf32>,
        %add3A_654 = arith.constant 0 : i32
        %add3A_655 = vector.broadcast %add3A_654 : i32 to vector<16xi32>
        %add3A_656 = arith.addi %add3A_605, %add3A_655 : vector<16xi32>
        %gather3A_657 = tpu.vector_load_idx %arg5[%add3A_656] : memref<8192xf32, #tpu.memory_space<vmem>>[vector<16xi32>], vector<16xf32>,
        %mul3A_658 = arith.mulf %gather3A, %gather3A_657 : vector<16xf32>
        %add3A_659 = arith.constant 0 : i32
        %add3A_660 = arith.addi %add3A_650, %add3A_659 : i32
        %swap3A = arith.index_cast %add3A_660 : i32 to index
        %swap3A_661 = tpu.vector_load %arg8[%swap3A] {strides = array<i32>} : memref<32768xf32, #tpu.memory_space<vmem>>, vector<16xf32>,
        tpu.vector_store %arg8[%swap3A], %mul3A_658 {strides = array<i32>} : memref<32768xf32, #tpu.memory_space<vmem>>, vector<16xf32>,
        %add3A_662 = arith.constant 256 : i32
        %add3A_663 = vector.broadcast %add3A_662 : i32 to vector<16xi32>
        %add3A_664 = arith.addi %add3A_598, %add3A_663 : vector<16xi32>
        %gather3A_665 = tpu.vector_load_idx %arg5[%add3A_664] : memref<8192xf32, #tpu.memory_space<vmem>>[vector<16xi32>], vector<16xf32>,
        %add3A_666 = arith.constant 256 : i32
        %add3A_667 = vector.broadcast %add3A_666 : i32 to vector<16xi32>
        %add3A_668 = arith.addi %add3A_605, %add3A_667 : vector<16xi32>
        %gather3A_669 = tpu.vector_load_idx %arg5[%add3A_668] : memref<8192xf32, #tpu.memory_space<vmem>>[vector<16xi32>], vector<16xf32>,
        %mul3A_670 = arith.mulf %gather3A_665, %gather3A_669 : vector<16xf32>
        %add3A_671 = arith.constant 128 : i32
        %add3A_672 = arith.addi %add3A_650, %add3A_671 : i32
        %swap3A_673 = arith.index_cast %add3A_672 : i32 to index
        %swap3A_674 = tpu.vector_load %arg8[%swap3A_673] {strides = array<i32>} : memref<32768xf32, #tpu.memory_space<vmem>>, vector<16xf32>,
        tpu.vector_store %arg8[%swap3A_673], %mul3A_670 {strides = array<i32>} : memref<32768xf32, #tpu.memory_space<vmem>>, vector<16xf32>,
        %add3A_675 = arith.constant 512 : i32
        %add3A_676 = vector.broadcast %add3A_675 : i32 to vector<16xi32>
        %add3A_677 = arith.addi %add3A_598, %add3A_676 : vector<16xi32>
        %gather3A_678 = tpu.vector_load_idx %arg5[%add3A_677] : memref<8192xf32, #tpu.memory_space<vmem>>[vector<16xi32>], vector<16xf32>,
        %add3A_679 = arith.constant 512 : i32
        %add3A_680 = vector.broadcast %add3A_679 : i32 to vector<16xi32>
        %add3A_681 = arith.addi %add3A_605, %add3A_680 : vector<16xi32>
        %gather3A_682 = tpu.vector_load_idx %arg5[%add3A_681] : memref<8192xf32, #tpu.memory_space<vmem>>[vector<16xi32>], vector<16xf32>,
        %mul3A_683 = arith.mulf %gather3A_678, %gather3A_682 : vector<16xf32>
        %add3A_684 = arith.constant 256 : i32
        %add3A_685 = arith.addi %add3A_650, %add3A_684 : i32
        %swap3A_686 = arith.index_cast %add3A_685 : i32 to index
        %swap3A_687 = tpu.vector_load %arg8[%swap3A_686] {strides = array<i32>} : memref<32768xf32, #tpu.memory_space<vmem>>, vector<16xf32>,
        tpu.vector_store %arg8[%swap3A_686], %mul3A_683 {strides = array<i32>} : memref<32768xf32, #tpu.memory_space<vmem>>, vector<16xf32>,
        %add3A_688 = arith.constant 768 : i32
        %add3A_689 = vector.broadcast %add3A_688 : i32 to vector<16xi32>
        %add3A_690 = arith.addi %add3A_598, %add3A_689 : vector<16xi32>
        %gather3A_691 = tpu.vector_load_idx %arg5[%add3A_690] : memref<8192xf32, #tpu.memory_space<vmem>>[vector<16xi32>], vector<16xf32>,
        %add3A_692 = arith.constant 768 : i32
        %add3A_693 = vector.broadcast %add3A_692 : i32 to vector<16xi32>
        %add3A_694 = arith.addi %add3A_605, %add3A_693 : vector<16xi32>
        %gather3A_695 = tpu.vector_load_idx %arg5[%add3A_694] : memref<8192xf32, #tpu.memory_space<vmem>>[vector<16xi32>], vector<16xf32>,
        %mul3A_696 = arith.mulf %gather3A_691, %gather3A_695 : vector<16xf32>
        %add3A_697 = arith.constant 384 : i32
        %add3A_698 = arith.addi %add3A_650, %add3A_697 : i32
        %swap3A_699 = arith.index_cast %add3A_698 : i32 to index
        %swap3A_700 = tpu.vector_load %arg8[%swap3A_699] {strides = array<i32>} : memref<32768xf32, #tpu.memory_space<vmem>>, vector<16xf32>,
        tpu.vector_store %arg8[%swap3A_699], %mul3A_696 {strides = array<i32>} : memref<32768xf32, #tpu.memory_space<vmem>>, vector<16xf32>,
        %add3A_701 = arith.constant 1024 : i32
        %add3A_702 = vector.broadcast %add3A_701 : i32 to vector<16xi32>
        %add3A_703 = arith.addi %add3A_598, %add3A_702 : vector<16xi32>
        %gather3A_704 = tpu.vector_load_idx %arg5[%add3A_703] : memref<8192xf32, #tpu.memory_space<vmem>>[vector<16xi32>], vector<16xf32>,
        %add3A_705 = arith.constant 1024 : i32
        %add3A_706 = vector.broadcast %add3A_705 : i32 to vector<16xi32>
        %add3A_707 = arith.addi %add3A_605, %add3A_706 : vector<16xi32>
        %gather3A_708 = tpu.vector_load_idx %arg5[%add3A_707] : memref<8192xf32, #tpu.memory_space<vmem>>[vector<16xi32>], vector<16xf32>,
        %mul3A_709 = arith.mulf %gather3A_704, %gather3A_708 : vector<16xf32>
        %add3A_710 = arith.constant 512 : i32
        %add3A_711 = arith.addi %add3A_650, %add3A_710 : i32
        %swap3A_712 = arith.index_cast %add3A_711 : i32 to index
        %swap3A_713 = tpu.vector_load %arg8[%swap3A_712] {strides = array<i32>} : memref<32768xf32, #tpu.memory_space<vmem>>, vector<16xf32>,
        tpu.vector_store %arg8[%swap3A_712], %mul3A_709 {strides = array<i32>} : memref<32768xf32, #tpu.memory_space<vmem>>, vector<16xf32>,
        %add3A_714 = arith.constant 1280 : i32
        %add3A_715 = vector.broadcast %add3A_714 : i32 to vector<16xi32>
        %add3A_716 = arith.addi %add3A_598, %add3A_715 : vector<16xi32>
        %gather3A_717 = tpu.vector_load_idx %arg5[%add3A_716] : memref<8192xf32, #tpu.memory_space<vmem>>[vector<16xi32>], vector<16xf32>,
        %add3A_718 = arith.constant 1280 : i32
        %add3A_719 = vector.broadcast %add3A_718 : i32 to vector<16xi32>
        %add3A_720 = arith.addi %add3A_605, %add3A_719 : vector<16xi32>
        %gather3A_721 = tpu.vector_load_idx %arg5[%add3A_720] : memref<8192xf32, #tpu.memory_space<vmem>>[vector<16xi32>], vector<16xf32>,
        %mul3A_722 = arith.mulf %gather3A_717, %gather3A_721 : vector<16xf32>
        %add3A_723 = arith.constant 640 : i32
        %add3A_724 = arith.addi %add3A_650, %add3A_723 : i32
        %swap3A_725 = arith.index_cast %add3A_724 : i32 to index
        %swap3A_726 = tpu.vector_load %arg8[%swap3A_725] {strides = array<i32>} : memref<32768xf32, #tpu.memory_space<vmem>>, vector<16xf32>,
        tpu.vector_store %arg8[%swap3A_725], %mul3A_722 {strides = array<i32>} : memref<32768xf32, #tpu.memory_space<vmem>>, vector<16xf32>,
        %add3A_727 = arith.constant 1536 : i32
        %add3A_728 = vector.broadcast %add3A_727 : i32 to vector<16xi32>
        %add3A_729 = arith.addi %add3A_598, %add3A_728 : vector<16xi32>
        %gather3A_730 = tpu.vector_load_idx %arg5[%add3A_729] : memref<8192xf32, #tpu.memory_space<vmem>>[vector<16xi32>], vector<16xf32>,
        %add3A_731 = arith.constant 1536 : i32
        %add3A_732 = vector.broadcast %add3A_731 : i32 to vector<16xi32>
        %add3A_733 = arith.addi %add3A_605, %add3A_732 : vector<16xi32>
        %gather3A_734 = tpu.vector_load_idx %arg5[%add3A_733] : memref<8192xf32, #tpu.memory_space<vmem>>[vector<16xi32>], vector<16xf32>,
        %mul3A_735 = arith.mulf %gather3A_730, %gather3A_734 : vector<16xf32>
        %add3A_736 = arith.constant 768 : i32
        %add3A_737 = arith.addi %add3A_650, %add3A_736 : i32
        %swap3A_738 = arith.index_cast %add3A_737 : i32 to index
        %swap3A_739 = tpu.vector_load %arg8[%swap3A_738] {strides = array<i32>} : memref<32768xf32, #tpu.memory_space<vmem>>, vector<16xf32>,
        tpu.vector_store %arg8[%swap3A_738], %mul3A_735 {strides = array<i32>} : memref<32768xf32, #tpu.memory_space<vmem>>, vector<16xf32>,
        %add3A_740 = arith.constant 1792 : i32
        %add3A_741 = vector.broadcast %add3A_740 : i32 to vector<16xi32>
        %add3A_742 = arith.addi %add3A_598, %add3A_741 : vector<16xi32>
        %gather3A_743 = tpu.vector_load_idx %arg5[%add3A_742] : memref<8192xf32, #tpu.memory_space<vmem>>[vector<16xi32>], vector<16xf32>,
        %add3A_744 = arith.constant 1792 : i32
        %add3A_745 = vector.broadcast %add3A_744 : i32 to vector<16xi32>
        %add3A_746 = arith.addi %add3A_605, %add3A_745 : vector<16xi32>
        %gather3A_747 = tpu.vector_load_idx %arg5[%add3A_746] : memref<8192xf32, #tpu.memory_space<vmem>>[vector<16xi32>], vector<16xf32>,
        %mul3A_748 = arith.mulf %gather3A_743, %gather3A_747 : vector<16xf32>
        %add3A_749 = arith.constant 896 : i32
        %add3A_750 = arith.addi %add3A_650, %add3A_749 : i32
        %swap3A_751 = arith.index_cast %add3A_750 : i32 to index
        %swap3A_752 = tpu.vector_load %arg8[%swap3A_751] {strides = array<i32>} : memref<32768xf32, #tpu.memory_space<vmem>>, vector<16xf32>,
        tpu.vector_store %arg8[%swap3A_751], %mul3A_748 {strides = array<i32>} : memref<32768xf32, #tpu.memory_space<vmem>>, vector<16xf32>,
      }
      %scan3A_459 = arith.constant 256 : i32
      %add3A_460 = arith.addi %mul3A_4, %select_n3A : i32
      %mul3A_461 = arith.constant 257 : i32
      %mul3A_462 = arith.muli %add3A_460, %mul3A_461 : i32
      %mul3A_463 = arith.constant 32 : i32
      %mul3A_464 = arith.muli %add3A_309, %mul3A_463 : i32
      %add3A_465 = arith.addi %mul3A_462, %mul3A_464 : i32
      %mul3A_466 = arith.constant 1024 : i32
      %mul3A_467 = arith.muli %add3A_465, %mul3A_466 : i32
      %add3A_468 = arith.constant 0 : i32
      %add3A_469 = arith.addi %mul3A_467, %add3A_468 : i32
      %dma_start3A_470 = arith.constant 0 : i32
      %dma_start3A_471 = tpu.memref_slice %arg8[%dma_start3A_470] : memref<32768xf32, #tpu.memory_space<vmem>> -> memref<4096xf32, #tpu.memory_space<vmem>>
      %dma_start3A_472 = tpu.memref_slice %arg4[%add3A_469] : memref<33685504xf32, #tpu.memory_space<hbm>> -> memref<4096xf32, #tpu.memory_space<hbm>>
      %dma_start3A_473 = tpu.memref_slice %arg4[%add3A_469] : memref<33685504xf32, #tpu.memory_space<hbm>> -> memref<4096xf32, #tpu.memory_space<hbm>>
      %dma_start3A_474 = arith.constant 0 : i32
      %dma_start3A_475 = tpu.memref_slice %arg8[%dma_start3A_474] : memref<32768xf32, #tpu.memory_space<vmem>> -> memref<4096xf32, #tpu.memory_space<vmem>>
      tpu.enqueue_dma source(%dma_start3A_475 : memref<4096xf32, #tpu.memory_space<vmem>>) target(%dma_start3A_473 : memref<4096xf32, #tpu.memory_space<hbm>>) target_semaphore(%arg11 : memref<!tpu.dma_semaphore, #tpu.memory_space<semaphore_mem>>)
      %add3A_476 = arith.addi %mul3A_4, %select_n3A : i32
      %mul3A_477 = arith.constant 257 : i32
      %mul3A_478 = arith.muli %add3A_476, %mul3A_477 : i32
      %mul3A_479 = arith.constant 32 : i32
      %mul3A_480 = arith.muli %add3A_309, %mul3A_479 : i32
      %add3A_481 = arith.addi %mul3A_478, %mul3A_480 : i32
      %mul3A_482 = arith.constant 1024 : i32
      %mul3A_483 = arith.muli %add3A_481, %mul3A_482 : i32
      %add3A_484 = arith.constant 4096 : i32
      %add3A_485 = arith.addi %mul3A_483, %add3A_484 : i32
      %dma_start3A_486 = arith.constant 4096 : i32
      %dma_start3A_487 = tpu.memref_slice %arg8[%dma_start3A_486] : memref<32768xf32, #tpu.memory_space<vmem>> -> memref<4096xf32, #tpu.memory_space<vmem>>
      %dma_start3A_488 = tpu.memref_slice %arg4[%add3A_485] : memref<33685504xf32, #tpu.memory_space<hbm>> -> memref<4096xf32, #tpu.memory_space<hbm>>
      %dma_start3A_489 = tpu.memref_slice %arg4[%add3A_485] : memref<33685504xf32, #tpu.memory_space<hbm>> -> memref<4096xf32, #tpu.memory_space<hbm>>
      %dma_start3A_490 = arith.constant 4096 : i32
      %dma_start3A_491 = tpu.memref_slice %arg8[%dma_start3A_490] : memref<32768xf32, #tpu.memory_space<vmem>> -> memref<4096xf32, #tpu.memory_space<vmem>>
      tpu.enqueue_dma source(%dma_start3A_491 : memref<4096xf32, #tpu.memory_space<vmem>>) target(%dma_start3A_489 : memref<4096xf32, #tpu.memory_space<hbm>>) target_semaphore(%arg11 : memref<!tpu.dma_semaphore, #tpu.memory_space<semaphore_mem>>)
      %add3A_492 = arith.addi %mul3A_4, %select_n3A : i32
      %mul3A_493 = arith.constant 257 : i32
      %mul3A_494 = arith.muli %add3A_492, %mul3A_493 : i32
      %mul3A_495 = arith.constant 32 : i32
      %mul3A_496 = arith.muli %add3A_309, %mul3A_495 : i32
      %add3A_497 = arith.addi %mul3A_494, %mul3A_496 : i32
      %mul3A_498 = arith.constant 1024 : i32
      %mul3A_499 = arith.muli %add3A_497, %mul3A_498 : i32
      %add3A_500 = arith.constant 8192 : i32
      %add3A_501 = arith.addi %mul3A_499, %add3A_500 : i32
      %dma_start3A_502 = arith.constant 8192 : i32
      %dma_start3A_503 = tpu.memref_slice %arg8[%dma_start3A_502] : memref<32768xf32, #tpu.memory_space<vmem>> -> memref<4096xf32, #tpu.memory_space<vmem>>
      %dma_start3A_504 = tpu.memref_slice %arg4[%add3A_501] : memref<33685504xf32, #tpu.memory_space<hbm>> -> memref<4096xf32, #tpu.memory_space<hbm>>
      %dma_start3A_505 = tpu.memref_slice %arg4[%add3A_501] : memref<33685504xf32, #tpu.memory_space<hbm>> -> memref<4096xf32, #tpu.memory_space<hbm>>
      %dma_start3A_506 = arith.constant 8192 : i32
      %dma_start3A_507 = tpu.memref_slice %arg8[%dma_start3A_506] : memref<32768xf32, #tpu.memory_space<vmem>> -> memref<4096xf32, #tpu.memory_space<vmem>>
      tpu.enqueue_dma source(%dma_start3A_507 : memref<4096xf32, #tpu.memory_space<vmem>>) target(%dma_start3A_505 : memref<4096xf32, #tpu.memory_space<hbm>>) target_semaphore(%arg11 : memref<!tpu.dma_semaphore, #tpu.memory_space<semaphore_mem>>)
      %add3A_508 = arith.addi %mul3A_4, %select_n3A : i32
      %mul3A_509 = arith.constant 257 : i32
      %mul3A_510 = arith.muli %add3A_508, %mul3A_509 : i32
      %mul3A_511 = arith.constant 32 : i32
      %mul3A_512 = arith.muli %add3A_309, %mul3A_511 : i32
      %add3A_513 = arith.addi %mul3A_510, %mul3A_512 : i32
      %mul3A_514 = arith.constant 1024 : i32
      %mul3A_515 = arith.muli %add3A_513, %mul3A_514 : i32
      %add3A_516 = arith.constant 12288 : i32
      %add3A_517 = arith.addi %mul3A_515, %add3A_516 : i32
      %dma_start3A_518 = arith.constant 12288 : i32
      %dma_start3A_519 = tpu.memref_slice %arg8[%dma_start3A_518] : memref<32768xf32, #tpu.memory_space<vmem>> -> memref<4096xf32, #tpu.memory_space<vmem>>
      %dma_start3A_520 = tpu.memref_slice %arg4[%add3A_517] : memref<33685504xf32, #tpu.memory_space<hbm>> -> memref<4096xf32, #tpu.memory_space<hbm>>
      %dma_start3A_521 = tpu.memref_slice %arg4[%add3A_517] : memref<33685504xf32, #tpu.memory_space<hbm>> -> memref<4096xf32, #tpu.memory_space<hbm>>
      %dma_start3A_522 = arith.constant 12288 : i32
      %dma_start3A_523 = tpu.memref_slice %arg8[%dma_start3A_522] : memref<32768xf32, #tpu.memory_space<vmem>> -> memref<4096xf32, #tpu.memory_space<vmem>>
      tpu.enqueue_dma source(%dma_start3A_523 : memref<4096xf32, #tpu.memory_space<vmem>>) target(%dma_start3A_521 : memref<4096xf32, #tpu.memory_space<hbm>>) target_semaphore(%arg11 : memref<!tpu.dma_semaphore, #tpu.memory_space<semaphore_mem>>)
      %add3A_524 = arith.addi %mul3A_4, %select_n3A : i32
      %mul3A_525 = arith.constant 257 : i32
      %mul3A_526 = arith.muli %add3A_524, %mul3A_525 : i32
      %mul3A_527 = arith.constant 32 : i32
      %mul3A_528 = arith.muli %add3A_309, %mul3A_527 : i32
      %add3A_529 = arith.addi %mul3A_526, %mul3A_528 : i32
      %mul3A_530 = arith.constant 1024 : i32
      %mul3A_531 = arith.muli %add3A_529, %mul3A_530 : i32
      %add3A_532 = arith.constant 16384 : i32
      %add3A_533 = arith.addi %mul3A_531, %add3A_532 : i32
      %dma_start3A_534 = arith.constant 16384 : i32
      %dma_start3A_535 = tpu.memref_slice %arg8[%dma_start3A_534] : memref<32768xf32, #tpu.memory_space<vmem>> -> memref<4096xf32, #tpu.memory_space<vmem>>
      %dma_start3A_536 = tpu.memref_slice %arg4[%add3A_533] : memref<33685504xf32, #tpu.memory_space<hbm>> -> memref<4096xf32, #tpu.memory_space<hbm>>
      %dma_start3A_537 = tpu.memref_slice %arg4[%add3A_533] : memref<33685504xf32, #tpu.memory_space<hbm>> -> memref<4096xf32, #tpu.memory_space<hbm>>
      %dma_start3A_538 = arith.constant 16384 : i32
      %dma_start3A_539 = tpu.memref_slice %arg8[%dma_start3A_538] : memref<32768xf32, #tpu.memory_space<vmem>> -> memref<4096xf32, #tpu.memory_space<vmem>>
      tpu.enqueue_dma source(%dma_start3A_539 : memref<4096xf32, #tpu.memory_space<vmem>>) target(%dma_start3A_537 : memref<4096xf32, #tpu.memory_space<hbm>>) target_semaphore(%arg11 : memref<!tpu.dma_semaphore, #tpu.memory_space<semaphore_mem>>)
      %add3A_540 = arith.addi %mul3A_4, %select_n3A : i32
      %mul3A_541 = arith.constant 257 : i32
      %mul3A_542 = arith.muli %add3A_540, %mul3A_541 : i32
      %mul3A_543 = arith.constant 32 : i32
      %mul3A_544 = arith.muli %add3A_309, %mul3A_543 : i32
      %add3A_545 = arith.addi %mul3A_542, %mul3A_544 : i32
      %mul3A_546 = arith.constant 1024 : i32
      %mul3A_547 = arith.muli %add3A_545, %mul3A_546 : i32
      %add3A_548 = arith.constant 20480 : i32
      %add3A_549 = arith.addi %mul3A_547, %add3A_548 : i32
      %dma_start3A_550 = arith.constant 20480 : i32
      %dma_start3A_551 = tpu.memref_slice %arg8[%dma_start3A_550] : memref<32768xf32, #tpu.memory_space<vmem>> -> memref<4096xf32, #tpu.memory_space<vmem>>
      %dma_start3A_552 = tpu.memref_slice %arg4[%add3A_549] : memref<33685504xf32, #tpu.memory_space<hbm>> -> memref<4096xf32, #tpu.memory_space<hbm>>
      %dma_start3A_553 = tpu.memref_slice %arg4[%add3A_549] : memref<33685504xf32, #tpu.memory_space<hbm>> -> memref<4096xf32, #tpu.memory_space<hbm>>
      %dma_start3A_554 = arith.constant 20480 : i32
      %dma_start3A_555 = tpu.memref_slice %arg8[%dma_start3A_554] : memref<32768xf32, #tpu.memory_space<vmem>> -> memref<4096xf32, #tpu.memory_space<vmem>>
      tpu.enqueue_dma source(%dma_start3A_555 : memref<4096xf32, #tpu.memory_space<vmem>>) target(%dma_start3A_553 : memref<4096xf32, #tpu.memory_space<hbm>>) target_semaphore(%arg11 : memref<!tpu.dma_semaphore, #tpu.memory_space<semaphore_mem>>)
      %add3A_556 = arith.addi %mul3A_4, %select_n3A : i32
      %mul3A_557 = arith.constant 257 : i32
      %mul3A_558 = arith.muli %add3A_556, %mul3A_557 : i32
      %mul3A_559 = arith.constant 32 : i32
      %mul3A_560 = arith.muli %add3A_309, %mul3A_559 : i32
      %add3A_561 = arith.addi %mul3A_558, %mul3A_560 : i32
      %mul3A_562 = arith.constant 1024 : i32
      %mul3A_563 = arith.muli %add3A_561, %mul3A_562 : i32
      %add3A_564 = arith.constant 24576 : i32
      %add3A_565 = arith.addi %mul3A_563, %add3A_564 : i32
      %dma_start3A_566 = arith.constant 24576 : i32
      %dma_start3A_567 = tpu.memref_slice %arg8[%dma_start3A_566] : memref<32768xf32, #tpu.memory_space<vmem>> -> memref<4096xf32, #tpu.memory_space<vmem>>
      %dma_start3A_568 = tpu.memref_slice %arg4[%add3A_565] : memref<33685504xf32, #tpu.memory_space<hbm>> -> memref<4096xf32, #tpu.memory_space<hbm>>
      %dma_start3A_569 = tpu.memref_slice %arg4[%add3A_565] : memref<33685504xf32, #tpu.memory_space<hbm>> -> memref<4096xf32, #tpu.memory_space<hbm>>
      %dma_start3A_570 = arith.constant 24576 : i32
      %dma_start3A_571 = tpu.memref_slice %arg8[%dma_start3A_570] : memref<32768xf32, #tpu.memory_space<vmem>> -> memref<4096xf32, #tpu.memory_space<vmem>>
      tpu.enqueue_dma source(%dma_start3A_571 : memref<4096xf32, #tpu.memory_space<vmem>>) target(%dma_start3A_569 : memref<4096xf32, #tpu.memory_space<hbm>>) target_semaphore(%arg11 : memref<!tpu.dma_semaphore, #tpu.memory_space<semaphore_mem>>)
      %add3A_572 = arith.addi %mul3A_4, %select_n3A : i32
      %mul3A_573 = arith.constant 257 : i32
      %mul3A_574 = arith.muli %add3A_572, %mul3A_573 : i32
      %mul3A_575 = arith.constant 32 : i32
      %mul3A_576 = arith.muli %add3A_309, %mul3A_575 : i32
      %add3A_577 = arith.addi %mul3A_574, %mul3A_576 : i32
      %mul3A_578 = arith.constant 1024 : i32
      %mul3A_579 = arith.muli %add3A_577, %mul3A_578 : i32
      %add3A_580 = arith.constant 28672 : i32
      %add3A_581 = arith.addi %mul3A_579, %add3A_580 : i32
      %dma_start3A_582 = arith.constant 28672 : i32
      %dma_start3A_583 = tpu.memref_slice %arg8[%dma_start3A_582] : memref<32768xf32, #tpu.memory_space<vmem>> -> memref<4096xf32, #tpu.memory_space<vmem>>
      %dma_start3A_584 = tpu.memref_slice %arg4[%add3A_581] : memref<33685504xf32, #tpu.memory_space<hbm>> -> memref<4096xf32, #tpu.memory_space<hbm>>
      %dma_start3A_585 = tpu.memref_slice %arg4[%add3A_581] : memref<33685504xf32, #tpu.memory_space<hbm>> -> memref<4096xf32, #tpu.memory_space<hbm>>
      %dma_start3A_586 = arith.constant 28672 : i32
      %dma_start3A_587 = tpu.memref_slice %arg8[%dma_start3A_586] : memref<32768xf32, #tpu.memory_space<vmem>> -> memref<4096xf32, #tpu.memory_space<vmem>>
      tpu.enqueue_dma source(%dma_start3A_587 : memref<4096xf32, #tpu.memory_space<vmem>>) target(%dma_start3A_585 : memref<4096xf32, #tpu.memory_space<hbm>>) target_semaphore(%arg11 : memref<!tpu.dma_semaphore, #tpu.memory_space<semaphore_mem>>)
    }
    %scan3A_11 = arith.constant 16 : i32
    %scan3A_12 = arith.constant 0 : i32
    %scan3A_13 = arith.constant 0 : i32
    %scan3A_14 = arith.constant 4 : i32
    %scan3A_15 = arith.addi %scan3A_13, %scan3A_14 : i32
    %scan3A_16 = arith.constant 1 : i32
    scf.for %scan3A_273 = %scan3A_13 to %scan3A_15 step %scan3A_16  : i32 {
      %scan3A_274 = arith.constant 0 : i32
      %scan3A_275 = arith.constant 0 : i32
      %scan3A_276 = arith.constant 8 : i32
      %scan3A_277 = arith.addi %scan3A_275, %scan3A_276 : i32
      %scan3A_278 = arith.constant 1 : i32
      scf.for %scan3A_287 = %scan3A_275 to %scan3A_277 step %scan3A_278  : i32 {
        %mul3A_288 = arith.constant 16 : i32
        %mul3A_289 = arith.muli %scan3A_287, %mul3A_288 : i32
        %add3A_290 = arith.constant 32768 : i32
        %add3A_291 = arith.addi %add3A_290, %mul3A_289 : i32
        %get3A = arith.index_cast %add3A_291 : i32 to index
        %get3A_292 = tpu.vector_load %arg6[%get3A] {strides = array<i32>} : memref<32896xi32, #tpu.memory_space<vmem>>, vector<16xi32>,
        %shift_right_arithmetic3A = arith.constant 8 : i32
        %shift_right_arithmetic3A_293 = vector.broadcast %shift_right_arithmetic3A : i32 to vector<16xi32>
        %shift_right_arithmetic3A_294 = arith.shrsi %get3A_292, %shift_right_arithmetic3A_293 : vector<16xi32>
        %mul3A_295 = arith.constant 2048 : i32
        %mul3A_296 = arith.muli %scan3A_273, %mul3A_295 : i32
        %add3A_297 = vector.broadcast %mul3A_296 : i32 to vector<16xi32>
        %add3A_298 = arith.addi %shift_right_arithmetic3A_294, %add3A_297 : vector<16xi32>
        %and3A = arith.constant 255 : i32
        %and3A_299 = vector.broadcast %and3A : i32 to vector<16xi32>
        %and3A_300 = arith.andi %get3A_292, %and3A_299 : vector<16xi32>
        %mul3A_301 = arith.constant 2048 : i32
        %mul3A_302 = arith.muli %scan3A_273, %mul3A_301 : i32
        %add3A_303 = vector.broadcast %mul3A_302 : i32 to vector<16xi32>
        %add3A_304 = arith.addi %and3A_300, %add3A_303 : vector<16xi32>
        %jit3A = arith.constant 8 : i32
        %div3A = arith.divsi %scan3A_287, %jit3A : i32
        %sign3A = arith.constant 0 : i32
        %sign3A_305 = arith.cmpi sgt, %scan3A_287, %sign3A : i32
        %sign3A_306 = arith.extui %sign3A_305 : i1 to i32
        %sign3A_307 = arith.constant 0 : i32
        %sign3A_308 = arith.cmpi slt, %scan3A_287, %sign3A_307 : i32
        %sign3A_309 = arith.extui %sign3A_308 : i1 to i32
        %sign3A_310 = arith.subi %sign3A_306, %sign3A_309 : i32
        %sign3A_311 = arith.constant 0 : i32
        %sign3A_312 = arith.cmpi sgt, %jit3A, %sign3A_311 : i32
        %sign3A_313 = arith.extui %sign3A_312 : i1 to i32
        %sign3A_314 = arith.constant 0 : i32
        %sign3A_315 = arith.cmpi slt, %jit3A, %sign3A_314 : i32
        %sign3A_316 = arith.extui %sign3A_315 : i1 to i32
        %sign3A_317 = arith.subi %sign3A_313, %sign3A_316 : i32
        %ne3A = arith.cmpi ne, %sign3A_310, %sign3A_317 : i32
        %rem3A = arith.remsi %scan3A_287, %jit3A : i32
        %ne3A_318 = arith.constant 0 : i32
        %ne3A_319 = arith.cmpi ne, %rem3A, %ne3A_318 : i32
        %and3A_320 = arith.andi %ne3A, %ne3A_319 : i1
        %sub3A = arith.constant 1 : i32
        %sub3A_321 = arith.subi %div3A, %sub3A : i32
        %select_n3A = arith.select %and3A_320, %sub3A_321, %div3A : i32
        %mul3A_322 = arith.constant 1024 : i32
        %mul3A_323 = arith.muli %select_n3A, %mul3A_322 : i32
        %jit3A_324 = arith.constant 8 : i32
        %eq3A = arith.constant 0 : i32
        %eq3A_325 = arith.cmpi eq, %jit3A_324, %eq3A : i32
        %jit3A_326 = arith.constant 1 : i32
        %select_n3A_327 = arith.select %eq3A_325, %jit3A_326, %jit3A_324 : i32
        %rem3A_328 = arith.remsi %scan3A_287, %select_n3A_327 : i32
        %ne3A_329 = arith.constant 0 : i32
        %ne3A_330 = arith.cmpi ne, %rem3A_328, %ne3A_329 : i32
        %lt3A = arith.constant 0 : i32
        %lt3A_331 = arith.cmpi slt, %rem3A_328, %lt3A : i32
        %lt3A_332 = arith.constant 0 : i32
        %lt3A_333 = arith.cmpi slt, %select_n3A_327, %lt3A_332 : i32
        %ne3A_334 = arith.xori %lt3A_331, %lt3A_333 : i1
        %and3A_335 = arith.andi %ne3A_334, %ne3A_330 : i1
        %add3A_336 = arith.addi %rem3A_328, %select_n3A_327 : i32
        %select_n3A_337 = arith.select %and3A_335, %add3A_336, %rem3A_328 : i32
        %mul3A_338 = arith.constant 16 : i32
        %mul3A_339 = arith.muli %select_n3A_337, %mul3A_338 : i32
        %add3A_340 = arith.addi %mul3A_323, %mul3A_339 : i32
        %add3A_341 = arith.constant 0 : i32
        %add3A_342 = vector.broadcast %add3A_341 : i32 to vector<16xi32>
        %add3A_343 = arith.addi %add3A_298, %add3A_342 : vector<16xi32>
        %gather3A = tpu.vector_load_idx %arg5[%add3A_343] : memref<8192xf32, #tpu.memory_space<vmem>>[vector<16xi32>], vector<16xf32>,
        %add3A_344 = arith.constant 0 : i32
        %add3A_345 = vector.broadcast %add3A_344 : i32 to vector<16xi32>
        %add3A_346 = arith.addi %add3A_304, %add3A_345 : vector<16xi32>
        %gather3A_347 = tpu.vector_load_idx %arg5[%add3A_346] : memref<8192xf32, #tpu.memory_space<vmem>>[vector<16xi32>], vector<16xf32>,
        %mul3A_348 = arith.mulf %gather3A, %gather3A_347 : vector<16xf32>
        %add3A_349 = arith.constant 0 : i32
        %add3A_350 = arith.addi %add3A_340, %add3A_349 : i32
        %swap3A = arith.index_cast %add3A_350 : i32 to index
        %swap3A_351 = tpu.vector_load %arg9[%swap3A] {strides = array<i32>} : memref<1024xf32, #tpu.memory_space<vmem>>, vector<16xf32>,
        tpu.vector_store %arg9[%swap3A], %mul3A_348 {strides = array<i32>} : memref<1024xf32, #tpu.memory_space<vmem>>, vector<16xf32>,
        %add3A_352 = arith.constant 256 : i32
        %add3A_353 = vector.broadcast %add3A_352 : i32 to vector<16xi32>
        %add3A_354 = arith.addi %add3A_298, %add3A_353 : vector<16xi32>
        %gather3A_355 = tpu.vector_load_idx %arg5[%add3A_354] : memref<8192xf32, #tpu.memory_space<vmem>>[vector<16xi32>], vector<16xf32>,
        %add3A_356 = arith.constant 256 : i32
        %add3A_357 = vector.broadcast %add3A_356 : i32 to vector<16xi32>
        %add3A_358 = arith.addi %add3A_304, %add3A_357 : vector<16xi32>
        %gather3A_359 = tpu.vector_load_idx %arg5[%add3A_358] : memref<8192xf32, #tpu.memory_space<vmem>>[vector<16xi32>], vector<16xf32>,
        %mul3A_360 = arith.mulf %gather3A_355, %gather3A_359 : vector<16xf32>
        %add3A_361 = arith.constant 128 : i32
        %add3A_362 = arith.addi %add3A_340, %add3A_361 : i32
        %swap3A_363 = arith.index_cast %add3A_362 : i32 to index
        %swap3A_364 = tpu.vector_load %arg9[%swap3A_363] {strides = array<i32>} : memref<1024xf32, #tpu.memory_space<vmem>>, vector<16xf32>,
        tpu.vector_store %arg9[%swap3A_363], %mul3A_360 {strides = array<i32>} : memref<1024xf32, #tpu.memory_space<vmem>>, vector<16xf32>,
        %add3A_365 = arith.constant 512 : i32
        %add3A_366 = vector.broadcast %add3A_365 : i32 to vector<16xi32>
        %add3A_367 = arith.addi %add3A_298, %add3A_366 : vector<16xi32>
        %gather3A_368 = tpu.vector_load_idx %arg5[%add3A_367] : memref<8192xf32, #tpu.memory_space<vmem>>[vector<16xi32>], vector<16xf32>,
        %add3A_369 = arith.constant 512 : i32
        %add3A_370 = vector.broadcast %add3A_369 : i32 to vector<16xi32>
        %add3A_371 = arith.addi %add3A_304, %add3A_370 : vector<16xi32>
        %gather3A_372 = tpu.vector_load_idx %arg5[%add3A_371] : memref<8192xf32, #tpu.memory_space<vmem>>[vector<16xi32>], vector<16xf32>,
        %mul3A_373 = arith.mulf %gather3A_368, %gather3A_372 : vector<16xf32>
        %add3A_374 = arith.constant 256 : i32
        %add3A_375 = arith.addi %add3A_340, %add3A_374 : i32
        %swap3A_376 = arith.index_cast %add3A_375 : i32 to index
        %swap3A_377 = tpu.vector_load %arg9[%swap3A_376] {strides = array<i32>} : memref<1024xf32, #tpu.memory_space<vmem>>, vector<16xf32>,
        tpu.vector_store %arg9[%swap3A_376], %mul3A_373 {strides = array<i32>} : memref<1024xf32, #tpu.memory_space<vmem>>, vector<16xf32>,
        %add3A_378 = arith.constant 768 : i32
        %add3A_379 = vector.broadcast %add3A_378 : i32 to vector<16xi32>
        %add3A_380 = arith.addi %add3A_298, %add3A_379 : vector<16xi32>
        %gather3A_381 = tpu.vector_load_idx %arg5[%add3A_380] : memref<8192xf32, #tpu.memory_space<vmem>>[vector<16xi32>], vector<16xf32>,
        %add3A_382 = arith.constant 768 : i32
        %add3A_383 = vector.broadcast %add3A_382 : i32 to vector<16xi32>
        %add3A_384 = arith.addi %add3A_304, %add3A_383 : vector<16xi32>
        %gather3A_385 = tpu.vector_load_idx %arg5[%add3A_384] : memref<8192xf32, #tpu.memory_space<vmem>>[vector<16xi32>], vector<16xf32>,
        %mul3A_386 = arith.mulf %gather3A_381, %gather3A_385 : vector<16xf32>
        %add3A_387 = arith.constant 384 : i32
        %add3A_388 = arith.addi %add3A_340, %add3A_387 : i32
        %swap3A_389 = arith.index_cast %add3A_388 : i32 to index
        %swap3A_390 = tpu.vector_load %arg9[%swap3A_389] {strides = array<i32>} : memref<1024xf32, #tpu.memory_space<vmem>>, vector<16xf32>,
        tpu.vector_store %arg9[%swap3A_389], %mul3A_386 {strides = array<i32>} : memref<1024xf32, #tpu.memory_space<vmem>>, vector<16xf32>,
        %add3A_391 = arith.constant 1024 : i32
        %add3A_392 = vector.broadcast %add3A_391 : i32 to vector<16xi32>
        %add3A_393 = arith.addi %add3A_298, %add3A_392 : vector<16xi32>
        %gather3A_394 = tpu.vector_load_idx %arg5[%add3A_393] : memref<8192xf32, #tpu.memory_space<vmem>>[vector<16xi32>], vector<16xf32>,
        %add3A_395 = arith.constant 1024 : i32
        %add3A_396 = vector.broadcast %add3A_395 : i32 to vector<16xi32>
        %add3A_397 = arith.addi %add3A_304, %add3A_396 : vector<16xi32>
        %gather3A_398 = tpu.vector_load_idx %arg5[%add3A_397] : memref<8192xf32, #tpu.memory_space<vmem>>[vector<16xi32>], vector<16xf32>,
        %mul3A_399 = arith.mulf %gather3A_394, %gather3A_398 : vector<16xf32>
        %add3A_400 = arith.constant 512 : i32
        %add3A_401 = arith.addi %add3A_340, %add3A_400 : i32
        %swap3A_402 = arith.index_cast %add3A_401 : i32 to index
        %swap3A_403 = tpu.vector_load %arg9[%swap3A_402] {strides = array<i32>} : memref<1024xf32, #tpu.memory_space<vmem>>, vector<16xf32>,
        tpu.vector_store %arg9[%swap3A_402], %mul3A_399 {strides = array<i32>} : memref<1024xf32, #tpu.memory_space<vmem>>, vector<16xf32>,
        %add3A_404 = arith.constant 1280 : i32
        %add3A_405 = vector.broadcast %add3A_404 : i32 to vector<16xi32>
        %add3A_406 = arith.addi %add3A_298, %add3A_405 : vector<16xi32>
        %gather3A_407 = tpu.vector_load_idx %arg5[%add3A_406] : memref<8192xf32, #tpu.memory_space<vmem>>[vector<16xi32>], vector<16xf32>,
        %add3A_408 = arith.constant 1280 : i32
        %add3A_409 = vector.broadcast %add3A_408 : i32 to vector<16xi32>
        %add3A_410 = arith.addi %add3A_304, %add3A_409 : vector<16xi32>
        %gather3A_411 = tpu.vector_load_idx %arg5[%add3A_410] : memref<8192xf32, #tpu.memory_space<vmem>>[vector<16xi32>], vector<16xf32>,
        %mul3A_412 = arith.mulf %gather3A_407, %gather3A_411 : vector<16xf32>
        %add3A_413 = arith.constant 640 : i32
        %add3A_414 = arith.addi %add3A_340, %add3A_413 : i32
        %swap3A_415 = arith.index_cast %add3A_414 : i32 to index
        %swap3A_416 = tpu.vector_load %arg9[%swap3A_415] {strides = array<i32>} : memref<1024xf32, #tpu.memory_space<vmem>>, vector<16xf32>,
        tpu.vector_store %arg9[%swap3A_415], %mul3A_412 {strides = array<i32>} : memref<1024xf32, #tpu.memory_space<vmem>>, vector<16xf32>,
        %add3A_417 = arith.constant 1536 : i32
        %add3A_418 = vector.broadcast %add3A_417 : i32 to vector<16xi32>
        %add3A_419 = arith.addi %add3A_298, %add3A_418 : vector<16xi32>
        %gather3A_420 = tpu.vector_load_idx %arg5[%add3A_419] : memref<8192xf32, #tpu.memory_space<vmem>>[vector<16xi32>], vector<16xf32>,
        %add3A_421 = arith.constant 1536 : i32
        %add3A_422 = vector.broadcast %add3A_421 : i32 to vector<16xi32>
        %add3A_423 = arith.addi %add3A_304, %add3A_422 : vector<16xi32>
        %gather3A_424 = tpu.vector_load_idx %arg5[%add3A_423] : memref<8192xf32, #tpu.memory_space<vmem>>[vector<16xi32>], vector<16xf32>,
        %mul3A_425 = arith.mulf %gather3A_420, %gather3A_424 : vector<16xf32>
        %add3A_426 = arith.constant 768 : i32
        %add3A_427 = arith.addi %add3A_340, %add3A_426 : i32
        %swap3A_428 = arith.index_cast %add3A_427 : i32 to index
        %swap3A_429 = tpu.vector_load %arg9[%swap3A_428] {strides = array<i32>} : memref<1024xf32, #tpu.memory_space<vmem>>, vector<16xf32>,
        tpu.vector_store %arg9[%swap3A_428], %mul3A_425 {strides = array<i32>} : memref<1024xf32, #tpu.memory_space<vmem>>, vector<16xf32>,
        %add3A_430 = arith.constant 1792 : i32
        %add3A_431 = vector.broadcast %add3A_430 : i32 to vector<16xi32>
        %add3A_432 = arith.addi %add3A_298, %add3A_431 : vector<16xi32>
        %gather3A_433 = tpu.vector_load_idx %arg5[%add3A_432] : memref<8192xf32, #tpu.memory_space<vmem>>[vector<16xi32>], vector<16xf32>,
        %add3A_434 = arith.constant 1792 : i32
        %add3A_435 = vector.broadcast %add3A_434 : i32 to vector<16xi32>
        %add3A_436 = arith.addi %add3A_304, %add3A_435 : vector<16xi32>
        %gather3A_437 = tpu.vector_load_idx %arg5[%add3A_436] : memref<8192xf32, #tpu.memory_space<vmem>>[vector<16xi32>], vector<16xf32>,
        %mul3A_438 = arith.mulf %gather3A_433, %gather3A_437 : vector<16xf32>
        %add3A_439 = arith.constant 896 : i32
        %add3A_440 = arith.addi %add3A_340, %add3A_439 : i32
        %swap3A_441 = arith.index_cast %add3A_440 : i32 to index
        %swap3A_442 = tpu.vector_load %arg9[%swap3A_441] {strides = array<i32>} : memref<1024xf32, #tpu.memory_space<vmem>>, vector<16xf32>,
        tpu.vector_store %arg9[%swap3A_441], %mul3A_438 {strides = array<i32>} : memref<1024xf32, #tpu.memory_space<vmem>>, vector<16xf32>,
      }
      %scan3A_279 = arith.constant 8 : i32
      %add3A_280 = arith.addi %mul3A_4, %scan3A_273 : i32
      %mul3A_281 = arith.constant 257 : i32
      %mul3A_282 = arith.muli %add3A_280, %mul3A_281 : i32
      %add3A_283 = arith.constant 256 : i32
      %add3A_284 = arith.addi %mul3A_282, %add3A_283 : i32
      %mul3A_285 = arith.constant 1024 : i32
      %mul3A_286 = arith.muli %add3A_284, %mul3A_285 : i32
      "tpu.region"() ({
        %run_scoped3A = tpu.sem_alloc : memref<!tpu.dma_semaphore, #tpu.memory_space<semaphore_mem>>
        %dma_start3A = tpu.memref_slice %arg4[%mul3A_286] : memref<33685504xf32, #tpu.memory_space<hbm>> -> memref<1024xf32, #tpu.memory_space<hbm>>
        %dma_start3A_287 = tpu.memref_slice %arg4[%mul3A_286] : memref<33685504xf32, #tpu.memory_space<hbm>> -> memref<1024xf32, #tpu.memory_space<hbm>>
        tpu.enqueue_dma source(%arg9 : memref<1024xf32, #tpu.memory_space<vmem>>) target(%dma_start3A_287 : memref<1024xf32, #tpu.memory_space<hbm>>) target_semaphore(%run_scoped3A : memref<!tpu.dma_semaphore, #tpu.memory_space<semaphore_mem>>)
        %dma_wait3A_288 = tpu.memref_slice %arg4[%mul3A_286] : memref<33685504xf32, #tpu.memory_space<hbm>> -> memref<1024xf32, #tpu.memory_space<hbm>>
        %dma_wait3A_289 = tpu.memref_slice %arg4[%mul3A_286] : memref<33685504xf32, #tpu.memory_space<hbm>> -> memref<1024xf32, #tpu.memory_space<hbm>>
        tpu.wait_dma2 semaphore(%run_scoped3A : memref<!tpu.dma_semaphore, #tpu.memory_space<semaphore_mem>>) src(%arg9 : memref<1024xf32, #tpu.memory_space<vmem>>) dst(%dma_wait3A_289 : memref<1024xf32, #tpu.memory_space<hbm>>)
        tpu.yield
      }) : () -> ()
    }
    %scan3A_17 = arith.constant 4 : i32
    %add3A_18 = arith.constant 3 : i32
    %add3A_19 = arith.addi %mul3A_4, %add3A_18 : i32
    %mul3A_20 = arith.constant 257 : i32
    %mul3A_21 = arith.muli %add3A_19, %mul3A_20 : i32
    %add3A_22 = arith.constant 192 : i32
    %add3A_23 = arith.addi %mul3A_21, %add3A_22 : i32
    %mul3A_24 = arith.constant 1024 : i32
    %mul3A_25 = arith.muli %add3A_23, %mul3A_24 : i32
    %add3A_26 = arith.constant 0 : i32
    %add3A_27 = arith.addi %mul3A_25, %add3A_26 : i32
    %dma_wait3A = arith.constant 0 : i32
    %dma_wait3A_28 = tpu.memref_slice %arg7[%dma_wait3A] : memref<32768xf32, #tpu.memory_space<vmem>> -> memref<4096xf32, #tpu.memory_space<vmem>>
    %dma_wait3A_29 = tpu.memref_slice %arg4[%add3A_27] : memref<33685504xf32, #tpu.memory_space<hbm>> -> memref<4096xf32, #tpu.memory_space<hbm>>
    %dma_wait3A_30 = tpu.memref_slice %arg4[%add3A_27] : memref<33685504xf32, #tpu.memory_space<hbm>> -> memref<4096xf32, #tpu.memory_space<hbm>>
    %dma_wait3A_31 = arith.constant 0 : i32
    %dma_wait3A_32 = tpu.memref_slice %arg7[%dma_wait3A_31] : memref<32768xf32, #tpu.memory_space<vmem>> -> memref<4096xf32, #tpu.memory_space<vmem>>
    tpu.wait_dma2 semaphore(%arg10 : memref<!tpu.dma_semaphore, #tpu.memory_space<semaphore_mem>>) src(%dma_wait3A_32 : memref<4096xf32, #tpu.memory_space<vmem>>) dst(%dma_wait3A_30 : memref<4096xf32, #tpu.memory_space<hbm>>)
    %add3A_33 = arith.constant 3 : i32
    %add3A_34 = arith.addi %mul3A_4, %add3A_33 : i32
    %mul3A_35 = arith.constant 257 : i32
    %mul3A_36 = arith.muli %add3A_34, %mul3A_35 : i32
    %add3A_37 = arith.constant 192 : i32
    %add3A_38 = arith.addi %mul3A_36, %add3A_37 : i32
    %mul3A_39 = arith.constant 1024 : i32
    %mul3A_40 = arith.muli %add3A_38, %mul3A_39 : i32
    %add3A_41 = arith.constant 4096 : i32
    %add3A_42 = arith.addi %mul3A_40, %add3A_41 : i32
    %dma_wait3A_43 = arith.constant 4096 : i32
    %dma_wait3A_44 = tpu.memref_slice %arg7[%dma_wait3A_43] : memref<32768xf32, #tpu.memory_space<vmem>> -> memref<4096xf32, #tpu.memory_space<vmem>>
    %dma_wait3A_45 = tpu.memref_slice %arg4[%add3A_42] : memref<33685504xf32, #tpu.memory_space<hbm>> -> memref<4096xf32, #tpu.memory_space<hbm>>
    %dma_wait3A_46 = tpu.memref_slice %arg4[%add3A_42] : memref<33685504xf32, #tpu.memory_space<hbm>> -> memref<4096xf32, #tpu.memory_space<hbm>>
    %dma_wait3A_47 = arith.constant 4096 : i32
    %dma_wait3A_48 = tpu.memref_slice %arg7[%dma_wait3A_47] : memref<32768xf32, #tpu.memory_space<vmem>> -> memref<4096xf32, #tpu.memory_space<vmem>>
    tpu.wait_dma2 semaphore(%arg10 : memref<!tpu.dma_semaphore, #tpu.memory_space<semaphore_mem>>) src(%dma_wait3A_48 : memref<4096xf32, #tpu.memory_space<vmem>>) dst(%dma_wait3A_46 : memref<4096xf32, #tpu.memory_space<hbm>>)
    %add3A_49 = arith.constant 3 : i32
    %add3A_50 = arith.addi %mul3A_4, %add3A_49 : i32
    %mul3A_51 = arith.constant 257 : i32
    %mul3A_52 = arith.muli %add3A_50, %mul3A_51 : i32
    %add3A_53 = arith.constant 192 : i32
    %add3A_54 = arith.addi %mul3A_52, %add3A_53 : i32
    %mul3A_55 = arith.constant 1024 : i32
    %mul3A_56 = arith.muli %add3A_54, %mul3A_55 : i32
    %add3A_57 = arith.constant 8192 : i32
    %add3A_58 = arith.addi %mul3A_56, %add3A_57 : i32
    %dma_wait3A_59 = arith.constant 8192 : i32
    %dma_wait3A_60 = tpu.memref_slice %arg7[%dma_wait3A_59] : memref<32768xf32, #tpu.memory_space<vmem>> -> memref<4096xf32, #tpu.memory_space<vmem>>
    %dma_wait3A_61 = tpu.memref_slice %arg4[%add3A_58] : memref<33685504xf32, #tpu.memory_space<hbm>> -> memref<4096xf32, #tpu.memory_space<hbm>>
    %dma_wait3A_62 = tpu.memref_slice %arg4[%add3A_58] : memref<33685504xf32, #tpu.memory_space<hbm>> -> memref<4096xf32, #tpu.memory_space<hbm>>
    %dma_wait3A_63 = arith.constant 8192 : i32
    %dma_wait3A_64 = tpu.memref_slice %arg7[%dma_wait3A_63] : memref<32768xf32, #tpu.memory_space<vmem>> -> memref<4096xf32, #tpu.memory_space<vmem>>
    tpu.wait_dma2 semaphore(%arg10 : memref<!tpu.dma_semaphore, #tpu.memory_space<semaphore_mem>>) src(%dma_wait3A_64 : memref<4096xf32, #tpu.memory_space<vmem>>) dst(%dma_wait3A_62 : memref<4096xf32, #tpu.memory_space<hbm>>)
    %add3A_65 = arith.constant 3 : i32
    %add3A_66 = arith.addi %mul3A_4, %add3A_65 : i32
    %mul3A_67 = arith.constant 257 : i32
    %mul3A_68 = arith.muli %add3A_66, %mul3A_67 : i32
    %add3A_69 = arith.constant 192 : i32
    %add3A_70 = arith.addi %mul3A_68, %add3A_69 : i32
    %mul3A_71 = arith.constant 1024 : i32
    %mul3A_72 = arith.muli %add3A_70, %mul3A_71 : i32
    %add3A_73 = arith.constant 12288 : i32
    %add3A_74 = arith.addi %mul3A_72, %add3A_73 : i32
    %dma_wait3A_75 = arith.constant 12288 : i32
    %dma_wait3A_76 = tpu.memref_slice %arg7[%dma_wait3A_75] : memref<32768xf32, #tpu.memory_space<vmem>> -> memref<4096xf32, #tpu.memory_space<vmem>>
    %dma_wait3A_77 = tpu.memref_slice %arg4[%add3A_74] : memref<33685504xf32, #tpu.memory_space<hbm>> -> memref<4096xf32, #tpu.memory_space<hbm>>
    %dma_wait3A_78 = tpu.memref_slice %arg4[%add3A_74] : memref<33685504xf32, #tpu.memory_space<hbm>> -> memref<4096xf32, #tpu.memory_space<hbm>>
    %dma_wait3A_79 = arith.constant 12288 : i32
    %dma_wait3A_80 = tpu.memref_slice %arg7[%dma_wait3A_79] : memref<32768xf32, #tpu.memory_space<vmem>> -> memref<4096xf32, #tpu.memory_space<vmem>>
    tpu.wait_dma2 semaphore(%arg10 : memref<!tpu.dma_semaphore, #tpu.memory_space<semaphore_mem>>) src(%dma_wait3A_80 : memref<4096xf32, #tpu.memory_space<vmem>>) dst(%dma_wait3A_78 : memref<4096xf32, #tpu.memory_space<hbm>>)
    %add3A_81 = arith.constant 3 : i32
    %add3A_82 = arith.addi %mul3A_4, %add3A_81 : i32
    %mul3A_83 = arith.constant 257 : i32
    %mul3A_84 = arith.muli %add3A_82, %mul3A_83 : i32
    %add3A_85 = arith.constant 192 : i32
    %add3A_86 = arith.addi %mul3A_84, %add3A_85 : i32
    %mul3A_87 = arith.constant 1024 : i32
    %mul3A_88 = arith.muli %add3A_86, %mul3A_87 : i32
    %add3A_89 = arith.constant 16384 : i32
    %add3A_90 = arith.addi %mul3A_88, %add3A_89 : i32
    %dma_wait3A_91 = arith.constant 16384 : i32
    %dma_wait3A_92 = tpu.memref_slice %arg7[%dma_wait3A_91] : memref<32768xf32, #tpu.memory_space<vmem>> -> memref<4096xf32, #tpu.memory_space<vmem>>
    %dma_wait3A_93 = tpu.memref_slice %arg4[%add3A_90] : memref<33685504xf32, #tpu.memory_space<hbm>> -> memref<4096xf32, #tpu.memory_space<hbm>>
    %dma_wait3A_94 = tpu.memref_slice %arg4[%add3A_90] : memref<33685504xf32, #tpu.memory_space<hbm>> -> memref<4096xf32, #tpu.memory_space<hbm>>
    %dma_wait3A_95 = arith.constant 16384 : i32
    %dma_wait3A_96 = tpu.memref_slice %arg7[%dma_wait3A_95] : memref<32768xf32, #tpu.memory_space<vmem>> -> memref<4096xf32, #tpu.memory_space<vmem>>
    tpu.wait_dma2 semaphore(%arg10 : memref<!tpu.dma_semaphore, #tpu.memory_space<semaphore_mem>>) src(%dma_wait3A_96 : memref<4096xf32, #tpu.memory_space<vmem>>) dst(%dma_wait3A_94 : memref<4096xf32, #tpu.memory_space<hbm>>)
    %add3A_97 = arith.constant 3 : i32
    %add3A_98 = arith.addi %mul3A_4, %add3A_97 : i32
    %mul3A_99 = arith.constant 257 : i32
    %mul3A_100 = arith.muli %add3A_98, %mul3A_99 : i32
    %add3A_101 = arith.constant 192 : i32
    %add3A_102 = arith.addi %mul3A_100, %add3A_101 : i32
    %mul3A_103 = arith.constant 1024 : i32
    %mul3A_104 = arith.muli %add3A_102, %mul3A_103 : i32
    %add3A_105 = arith.constant 20480 : i32
    %add3A_106 = arith.addi %mul3A_104, %add3A_105 : i32
    %dma_wait3A_107 = arith.constant 20480 : i32
    %dma_wait3A_108 = tpu.memref_slice %arg7[%dma_wait3A_107] : memref<32768xf32, #tpu.memory_space<vmem>> -> memref<4096xf32, #tpu.memory_space<vmem>>
    %dma_wait3A_109 = tpu.memref_slice %arg4[%add3A_106] : memref<33685504xf32, #tpu.memory_space<hbm>> -> memref<4096xf32, #tpu.memory_space<hbm>>
    %dma_wait3A_110 = tpu.memref_slice %arg4[%add3A_106] : memref<33685504xf32, #tpu.memory_space<hbm>> -> memref<4096xf32, #tpu.memory_space<hbm>>
    %dma_wait3A_111 = arith.constant 20480 : i32
    %dma_wait3A_112 = tpu.memref_slice %arg7[%dma_wait3A_111] : memref<32768xf32, #tpu.memory_space<vmem>> -> memref<4096xf32, #tpu.memory_space<vmem>>
    tpu.wait_dma2 semaphore(%arg10 : memref<!tpu.dma_semaphore, #tpu.memory_space<semaphore_mem>>) src(%dma_wait3A_112 : memref<4096xf32, #tpu.memory_space<vmem>>) dst(%dma_wait3A_110 : memref<4096xf32, #tpu.memory_space<hbm>>)
    %add3A_113 = arith.constant 3 : i32
    %add3A_114 = arith.addi %mul3A_4, %add3A_113 : i32
    %mul3A_115 = arith.constant 257 : i32
    %mul3A_116 = arith.muli %add3A_114, %mul3A_115 : i32
    %add3A_117 = arith.constant 192 : i32
    %add3A_118 = arith.addi %mul3A_116, %add3A_117 : i32
    %mul3A_119 = arith.constant 1024 : i32
    %mul3A_120 = arith.muli %add3A_118, %mul3A_119 : i32
    %add3A_121 = arith.constant 24576 : i32
    %add3A_122 = arith.addi %mul3A_120, %add3A_121 : i32
    %dma_wait3A_123 = arith.constant 24576 : i32
    %dma_wait3A_124 = tpu.memref_slice %arg7[%dma_wait3A_123] : memref<32768xf32, #tpu.memory_space<vmem>> -> memref<4096xf32, #tpu.memory_space<vmem>>
    %dma_wait3A_125 = tpu.memref_slice %arg4[%add3A_122] : memref<33685504xf32, #tpu.memory_space<hbm>> -> memref<4096xf32, #tpu.memory_space<hbm>>
    %dma_wait3A_126 = tpu.memref_slice %arg4[%add3A_122] : memref<33685504xf32, #tpu.memory_space<hbm>> -> memref<4096xf32, #tpu.memory_space<hbm>>
    %dma_wait3A_127 = arith.constant 24576 : i32
    %dma_wait3A_128 = tpu.memref_slice %arg7[%dma_wait3A_127] : memref<32768xf32, #tpu.memory_space<vmem>> -> memref<4096xf32, #tpu.memory_space<vmem>>
    tpu.wait_dma2 semaphore(%arg10 : memref<!tpu.dma_semaphore, #tpu.memory_space<semaphore_mem>>) src(%dma_wait3A_128 : memref<4096xf32, #tpu.memory_space<vmem>>) dst(%dma_wait3A_126 : memref<4096xf32, #tpu.memory_space<hbm>>)
    %add3A_129 = arith.constant 3 : i32
    %add3A_130 = arith.addi %mul3A_4, %add3A_129 : i32
    %mul3A_131 = arith.constant 257 : i32
    %mul3A_132 = arith.muli %add3A_130, %mul3A_131 : i32
    %add3A_133 = arith.constant 192 : i32
    %add3A_134 = arith.addi %mul3A_132, %add3A_133 : i32
    %mul3A_135 = arith.constant 1024 : i32
    %mul3A_136 = arith.muli %add3A_134, %mul3A_135 : i32
    %add3A_137 = arith.constant 28672 : i32
    %add3A_138 = arith.addi %mul3A_136, %add3A_137 : i32
    %dma_wait3A_139 = arith.constant 28672 : i32
    %dma_wait3A_140 = tpu.memref_slice %arg7[%dma_wait3A_139] : memref<32768xf32, #tpu.memory_space<vmem>> -> memref<4096xf32, #tpu.memory_space<vmem>>
    %dma_wait3A_141 = tpu.memref_slice %arg4[%add3A_138] : memref<33685504xf32, #tpu.memory_space<hbm>> -> memref<4096xf32, #tpu.memory_space<hbm>>
    %dma_wait3A_142 = tpu.memref_slice %arg4[%add3A_138] : memref<33685504xf32, #tpu.memory_space<hbm>> -> memref<4096xf32, #tpu.memory_space<hbm>>
    %dma_wait3A_143 = arith.constant 28672 : i32
    %dma_wait3A_144 = tpu.memref_slice %arg7[%dma_wait3A_143] : memref<32768xf32, #tpu.memory_space<vmem>> -> memref<4096xf32, #tpu.memory_space<vmem>>
    tpu.wait_dma2 semaphore(%arg10 : memref<!tpu.dma_semaphore, #tpu.memory_space<semaphore_mem>>) src(%dma_wait3A_144 : memref<4096xf32, #tpu.memory_space<vmem>>) dst(%dma_wait3A_142 : memref<4096xf32, #tpu.memory_space<hbm>>)
    %add3A_145 = arith.constant 3 : i32
    %add3A_146 = arith.addi %mul3A_4, %add3A_145 : i32
    %mul3A_147 = arith.constant 257 : i32
    %mul3A_148 = arith.muli %add3A_146, %mul3A_147 : i32
    %add3A_149 = arith.constant 224 : i32
    %add3A_150 = arith.addi %mul3A_148, %add3A_149 : i32
    %mul3A_151 = arith.constant 1024 : i32
    %mul3A_152 = arith.muli %add3A_150, %mul3A_151 : i32
    %add3A_153 = arith.constant 0 : i32
    %add3A_154 = arith.addi %mul3A_152, %add3A_153 : i32
    %dma_wait3A_155 = arith.constant 0 : i32
    %dma_wait3A_156 = tpu.memref_slice %arg8[%dma_wait3A_155] : memref<32768xf32, #tpu.memory_space<vmem>> -> memref<4096xf32, #tpu.memory_space<vmem>>
    %dma_wait3A_157 = tpu.memref_slice %arg4[%add3A_154] : memref<33685504xf32, #tpu.memory_space<hbm>> -> memref<4096xf32, #tpu.memory_space<hbm>>
    %dma_wait3A_158 = tpu.memref_slice %arg4[%add3A_154] : memref<33685504xf32, #tpu.memory_space<hbm>> -> memref<4096xf32, #tpu.memory_space<hbm>>
    %dma_wait3A_159 = arith.constant 0 : i32
    %dma_wait3A_160 = tpu.memref_slice %arg8[%dma_wait3A_159] : memref<32768xf32, #tpu.memory_space<vmem>> -> memref<4096xf32, #tpu.memory_space<vmem>>
    tpu.wait_dma2 semaphore(%arg11 : memref<!tpu.dma_semaphore, #tpu.memory_space<semaphore_mem>>) src(%dma_wait3A_160 : memref<4096xf32, #tpu.memory_space<vmem>>) dst(%dma_wait3A_158 : memref<4096xf32, #tpu.memory_space<hbm>>)
    %add3A_161 = arith.constant 3 : i32
    %add3A_162 = arith.addi %mul3A_4, %add3A_161 : i32
    %mul3A_163 = arith.constant 257 : i32
    %mul3A_164 = arith.muli %add3A_162, %mul3A_163 : i32
    %add3A_165 = arith.constant 224 : i32
    %add3A_166 = arith.addi %mul3A_164, %add3A_165 : i32
    %mul3A_167 = arith.constant 1024 : i32
    %mul3A_168 = arith.muli %add3A_166, %mul3A_167 : i32
    %add3A_169 = arith.constant 4096 : i32
    %add3A_170 = arith.addi %mul3A_168, %add3A_169 : i32
    %dma_wait3A_171 = arith.constant 4096 : i32
    %dma_wait3A_172 = tpu.memref_slice %arg8[%dma_wait3A_171] : memref<32768xf32, #tpu.memory_space<vmem>> -> memref<4096xf32, #tpu.memory_space<vmem>>
    %dma_wait3A_173 = tpu.memref_slice %arg4[%add3A_170] : memref<33685504xf32, #tpu.memory_space<hbm>> -> memref<4096xf32, #tpu.memory_space<hbm>>
    %dma_wait3A_174 = tpu.memref_slice %arg4[%add3A_170] : memref<33685504xf32, #tpu.memory_space<hbm>> -> memref<4096xf32, #tpu.memory_space<hbm>>
    %dma_wait3A_175 = arith.constant 4096 : i32
    %dma_wait3A_176 = tpu.memref_slice %arg8[%dma_wait3A_175] : memref<32768xf32, #tpu.memory_space<vmem>> -> memref<4096xf32, #tpu.memory_space<vmem>>
    tpu.wait_dma2 semaphore(%arg11 : memref<!tpu.dma_semaphore, #tpu.memory_space<semaphore_mem>>) src(%dma_wait3A_176 : memref<4096xf32, #tpu.memory_space<vmem>>) dst(%dma_wait3A_174 : memref<4096xf32, #tpu.memory_space<hbm>>)
    %add3A_177 = arith.constant 3 : i32
    %add3A_178 = arith.addi %mul3A_4, %add3A_177 : i32
    %mul3A_179 = arith.constant 257 : i32
    %mul3A_180 = arith.muli %add3A_178, %mul3A_179 : i32
    %add3A_181 = arith.constant 224 : i32
    %add3A_182 = arith.addi %mul3A_180, %add3A_181 : i32
    %mul3A_183 = arith.constant 1024 : i32
    %mul3A_184 = arith.muli %add3A_182, %mul3A_183 : i32
    %add3A_185 = arith.constant 8192 : i32
    %add3A_186 = arith.addi %mul3A_184, %add3A_185 : i32
    %dma_wait3A_187 = arith.constant 8192 : i32
    %dma_wait3A_188 = tpu.memref_slice %arg8[%dma_wait3A_187] : memref<32768xf32, #tpu.memory_space<vmem>> -> memref<4096xf32, #tpu.memory_space<vmem>>
    %dma_wait3A_189 = tpu.memref_slice %arg4[%add3A_186] : memref<33685504xf32, #tpu.memory_space<hbm>> -> memref<4096xf32, #tpu.memory_space<hbm>>
    %dma_wait3A_190 = tpu.memref_slice %arg4[%add3A_186] : memref<33685504xf32, #tpu.memory_space<hbm>> -> memref<4096xf32, #tpu.memory_space<hbm>>
    %dma_wait3A_191 = arith.constant 8192 : i32
    %dma_wait3A_192 = tpu.memref_slice %arg8[%dma_wait3A_191] : memref<32768xf32, #tpu.memory_space<vmem>> -> memref<4096xf32, #tpu.memory_space<vmem>>
    tpu.wait_dma2 semaphore(%arg11 : memref<!tpu.dma_semaphore, #tpu.memory_space<semaphore_mem>>) src(%dma_wait3A_192 : memref<4096xf32, #tpu.memory_space<vmem>>) dst(%dma_wait3A_190 : memref<4096xf32, #tpu.memory_space<hbm>>)
    %add3A_193 = arith.constant 3 : i32
    %add3A_194 = arith.addi %mul3A_4, %add3A_193 : i32
    %mul3A_195 = arith.constant 257 : i32
    %mul3A_196 = arith.muli %add3A_194, %mul3A_195 : i32
    %add3A_197 = arith.constant 224 : i32
    %add3A_198 = arith.addi %mul3A_196, %add3A_197 : i32
    %mul3A_199 = arith.constant 1024 : i32
    %mul3A_200 = arith.muli %add3A_198, %mul3A_199 : i32
    %add3A_201 = arith.constant 12288 : i32
    %add3A_202 = arith.addi %mul3A_200, %add3A_201 : i32
    %dma_wait3A_203 = arith.constant 12288 : i32
    %dma_wait3A_204 = tpu.memref_slice %arg8[%dma_wait3A_203] : memref<32768xf32, #tpu.memory_space<vmem>> -> memref<4096xf32, #tpu.memory_space<vmem>>
    %dma_wait3A_205 = tpu.memref_slice %arg4[%add3A_202] : memref<33685504xf32, #tpu.memory_space<hbm>> -> memref<4096xf32, #tpu.memory_space<hbm>>
    %dma_wait3A_206 = tpu.memref_slice %arg4[%add3A_202] : memref<33685504xf32, #tpu.memory_space<hbm>> -> memref<4096xf32, #tpu.memory_space<hbm>>
    %dma_wait3A_207 = arith.constant 12288 : i32
    %dma_wait3A_208 = tpu.memref_slice %arg8[%dma_wait3A_207] : memref<32768xf32, #tpu.memory_space<vmem>> -> memref<4096xf32, #tpu.memory_space<vmem>>
    tpu.wait_dma2 semaphore(%arg11 : memref<!tpu.dma_semaphore, #tpu.memory_space<semaphore_mem>>) src(%dma_wait3A_208 : memref<4096xf32, #tpu.memory_space<vmem>>) dst(%dma_wait3A_206 : memref<4096xf32, #tpu.memory_space<hbm>>)
    %add3A_209 = arith.constant 3 : i32
    %add3A_210 = arith.addi %mul3A_4, %add3A_209 : i32
    %mul3A_211 = arith.constant 257 : i32
    %mul3A_212 = arith.muli %add3A_210, %mul3A_211 : i32
    %add3A_213 = arith.constant 224 : i32
    %add3A_214 = arith.addi %mul3A_212, %add3A_213 : i32
    %mul3A_215 = arith.constant 1024 : i32
    %mul3A_216 = arith.muli %add3A_214, %mul3A_215 : i32
    %add3A_217 = arith.constant 16384 : i32
    %add3A_218 = arith.addi %mul3A_216, %add3A_217 : i32
    %dma_wait3A_219 = arith.constant 16384 : i32
    %dma_wait3A_220 = tpu.memref_slice %arg8[%dma_wait3A_219] : memref<32768xf32, #tpu.memory_space<vmem>> -> memref<4096xf32, #tpu.memory_space<vmem>>
    %dma_wait3A_221 = tpu.memref_slice %arg4[%add3A_218] : memref<33685504xf32, #tpu.memory_space<hbm>> -> memref<4096xf32, #tpu.memory_space<hbm>>
    %dma_wait3A_222 = tpu.memref_slice %arg4[%add3A_218] : memref<33685504xf32, #tpu.memory_space<hbm>> -> memref<4096xf32, #tpu.memory_space<hbm>>
    %dma_wait3A_223 = arith.constant 16384 : i32
    %dma_wait3A_224 = tpu.memref_slice %arg8[%dma_wait3A_223] : memref<32768xf32, #tpu.memory_space<vmem>> -> memref<4096xf32, #tpu.memory_space<vmem>>
    tpu.wait_dma2 semaphore(%arg11 : memref<!tpu.dma_semaphore, #tpu.memory_space<semaphore_mem>>) src(%dma_wait3A_224 : memref<4096xf32, #tpu.memory_space<vmem>>) dst(%dma_wait3A_222 : memref<4096xf32, #tpu.memory_space<hbm>>)
    %add3A_225 = arith.constant 3 : i32
    %add3A_226 = arith.addi %mul3A_4, %add3A_225 : i32
    %mul3A_227 = arith.constant 257 : i32
    %mul3A_228 = arith.muli %add3A_226, %mul3A_227 : i32
    %add3A_229 = arith.constant 224 : i32
    %add3A_230 = arith.addi %mul3A_228, %add3A_229 : i32
    %mul3A_231 = arith.constant 1024 : i32
    %mul3A_232 = arith.muli %add3A_230, %mul3A_231 : i32
    %add3A_233 = arith.constant 20480 : i32
    %add3A_234 = arith.addi %mul3A_232, %add3A_233 : i32
    %dma_wait3A_235 = arith.constant 20480 : i32
    %dma_wait3A_236 = tpu.memref_slice %arg8[%dma_wait3A_235] : memref<32768xf32, #tpu.memory_space<vmem>> -> memref<4096xf32, #tpu.memory_space<vmem>>
    %dma_wait3A_237 = tpu.memref_slice %arg4[%add3A_234] : memref<33685504xf32, #tpu.memory_space<hbm>> -> memref<4096xf32, #tpu.memory_space<hbm>>
    %dma_wait3A_238 = tpu.memref_slice %arg4[%add3A_234] : memref<33685504xf32, #tpu.memory_space<hbm>> -> memref<4096xf32, #tpu.memory_space<hbm>>
    %dma_wait3A_239 = arith.constant 20480 : i32
    %dma_wait3A_240 = tpu.memref_slice %arg8[%dma_wait3A_239] : memref<32768xf32, #tpu.memory_space<vmem>> -> memref<4096xf32, #tpu.memory_space<vmem>>
    tpu.wait_dma2 semaphore(%arg11 : memref<!tpu.dma_semaphore, #tpu.memory_space<semaphore_mem>>) src(%dma_wait3A_240 : memref<4096xf32, #tpu.memory_space<vmem>>) dst(%dma_wait3A_238 : memref<4096xf32, #tpu.memory_space<hbm>>)
    %add3A_241 = arith.constant 3 : i32
    %add3A_242 = arith.addi %mul3A_4, %add3A_241 : i32
    %mul3A_243 = arith.constant 257 : i32
    %mul3A_244 = arith.muli %add3A_242, %mul3A_243 : i32
    %add3A_245 = arith.constant 224 : i32
    %add3A_246 = arith.addi %mul3A_244, %add3A_245 : i32
    %mul3A_247 = arith.constant 1024 : i32
    %mul3A_248 = arith.muli %add3A_246, %mul3A_247 : i32
    %add3A_249 = arith.constant 24576 : i32
    %add3A_250 = arith.addi %mul3A_248, %add3A_249 : i32
    %dma_wait3A_251 = arith.constant 24576 : i32
    %dma_wait3A_252 = tpu.memref_slice %arg8[%dma_wait3A_251] : memref<32768xf32, #tpu.memory_space<vmem>> -> memref<4096xf32, #tpu.memory_space<vmem>>
    %dma_wait3A_253 = tpu.memref_slice %arg4[%add3A_250] : memref<33685504xf32, #tpu.memory_space<hbm>> -> memref<4096xf32, #tpu.memory_space<hbm>>
    %dma_wait3A_254 = tpu.memref_slice %arg4[%add3A_250] : memref<33685504xf32, #tpu.memory_space<hbm>> -> memref<4096xf32, #tpu.memory_space<hbm>>
    %dma_wait3A_255 = arith.constant 24576 : i32
    %dma_wait3A_256 = tpu.memref_slice %arg8[%dma_wait3A_255] : memref<32768xf32, #tpu.memory_space<vmem>> -> memref<4096xf32, #tpu.memory_space<vmem>>
    tpu.wait_dma2 semaphore(%arg11 : memref<!tpu.dma_semaphore, #tpu.memory_space<semaphore_mem>>) src(%dma_wait3A_256 : memref<4096xf32, #tpu.memory_space<vmem>>) dst(%dma_wait3A_254 : memref<4096xf32, #tpu.memory_space<hbm>>)
    %add3A_257 = arith.constant 3 : i32
    %add3A_258 = arith.addi %mul3A_4, %add3A_257 : i32
    %mul3A_259 = arith.constant 257 : i32
    %mul3A_260 = arith.muli %add3A_258, %mul3A_259 : i32
    %add3A_261 = arith.constant 224 : i32
    %add3A_262 = arith.addi %mul3A_260, %add3A_261 : i32
    %mul3A_263 = arith.constant 1024 : i32
    %mul3A_264 = arith.muli %add3A_262, %mul3A_263 : i32
    %add3A_265 = arith.constant 28672 : i32
    %add3A_266 = arith.addi %mul3A_264, %add3A_265 : i32
    %dma_wait3A_267 = arith.constant 28672 : i32
    %dma_wait3A_268 = tpu.memref_slice %arg8[%dma_wait3A_267] : memref<32768xf32, #tpu.memory_space<vmem>> -> memref<4096xf32, #tpu.memory_space<vmem>>
    %dma_wait3A_269 = tpu.memref_slice %arg4[%add3A_266] : memref<33685504xf32, #tpu.memory_space<hbm>> -> memref<4096xf32, #tpu.memory_space<hbm>>
    %dma_wait3A_270 = tpu.memref_slice %arg4[%add3A_266] : memref<33685504xf32, #tpu.memory_space<hbm>> -> memref<4096xf32, #tpu.memory_space<hbm>>
    %dma_wait3A_271 = arith.constant 28672 : i32
    %dma_wait3A_272 = tpu.memref_slice %arg8[%dma_wait3A_271] : memref<32768xf32, #tpu.memory_space<vmem>> -> memref<4096xf32, #tpu.memory_space<vmem>>
    tpu.wait_dma2 semaphore(%arg11 : memref<!tpu.dma_semaphore, #tpu.memory_space<semaphore_mem>>) src(%dma_wait3A_272 : memref<4096xf32, #tpu.memory_space<vmem>>) dst(%dma_wait3A_270 : memref<4096xf32, #tpu.memory_space<hbm>>)
    return
  }
}

</mosaic_0001>

<sc_bundles>
// kernel: kernel.3.cloned.1.call-start
scs
__scs_entry_jumppad:
0x0: {  	(pc) =	sbr.rel $0x88, $3  }
0x1: {  	(tag) =	ssettag $0x0;
	lr =	simm.s32 $0x1  }
0x2: {  	[smem:$0x3FA0] =	sst lr;
	_ =	strace $0xD0000000  }
0x3: {  	_ = 	snop  }
0x4: {  	_ = 	snop  }
0x5: {  	_ = 	snop  }
0x6: {  	_ = 	snop  }
0x7: {  	_ = 	snop  }
__scs_overlays_trampoline_lowered:
0x8: {  	[smem:$0x3FAF] =	sst s0  }
0x9: {  	[smem:$0x3FB0] =	sst s1  }
0xa: {  	[smem:$0x3FB1] =	sst s2  }
0xb: {  	[smem:$0x3FB2] =	sst s3  }
0xc: {  	[smem:$0x3FB3] =	sst s4  }
0xd: {  	[smem:$0x3FB4] =	sst s5  }
0xe: {  	[smem:$0x3FB5] =	sst s6  }
0xf: {  	[smem:$0x3FB6] =	sst s7  }
0x10: {  	[smem:$0x3FB7] =	sst s8  }
0x11: {  	[smem:$0x3FB8] =	sst s9;
	s0 =	simm.s32 @!p0 $0x0  }
0x12: {  	s1 =	sld [smem:$0x3F9E];
	s0 =	simm.s32 @p0 $0x1  }
0x13: {  	[smem:$0x3FB9] =	sst s0;
	s0 =	simm.s32 @!p1 $0x0  }
0x14: {  	s2 =	sld [smem:$0x3F9D];
	s0 =	simm.s32 @p1 $0x1  }
0x15: {  	[smem:$0x3FBA] =	sst s0;
	s0 =	simm.s32 @!p2 $0x0  }
0x16: {  	s3 =	sld [smem:$0x3FDB];
	s0 =	simm.s32 @p2 $0x1  }
0x17: {  	s4 =	simm.s32 $0x1BF5;
	[smem:$0x3FBC] =	sst s0  }
0x18: {  	s0 =	sld [smem:$0x3F9F];
	_ =	swait.ge [sflag:s4], $0x0  }
0x19: {  	s7 =	sld [smem:$0x3FA0]  }
0x1a: {  	s8 =	sadd.s32 $0xFFFFE003, lr  }
0x1b: {  	s9 =	sadd.s32 $0xFFFFFEF7, lr;
	s5 =	simm.s32 $0xFFFFFFFF;
	p2 =	slt.u32 s8, $0xFFFFF086  }
0x1c: {  	p1 =	slt.u32 s9, $0xF7A;
	s5 =	simm.s32 @!p2 $0x0  }
0x1d: {  	s5 =	simm.s32 @p1 $0x1;
	p0 =	seq.s32 s7, s2  }
0x1e: {  	s7 =	smul.u32 @!p0 $0xF7A, s2;
	p2 =	seq.s32 @!p0 s5, $0x0  }
0x1f: {  	s9 =	smul.u32 $0xF7A, s1;
	s8 =	simm.s32 @!p0 $0x1BF5;
	p2 =	por !p2, p0  }
0x20: {  	[sflag:s8] =	ssyncset.s32 @!p0 $0xFFFFF086;
	s6 =	sadd.s32 @!p0 s3, s7;
	s7 =	simm.s32 @!p0 $0x108  }
0x21: {  	s3 =	sadd.s32 s3, s9;
	s6 =	sadd.s32 @!p0 $0x88, s6;
	s7 =	simm.s32 @p2 $0x1082  }
0x22: {  	[simem:s7], [sflag:s8] =	dma.local @!p0 [hbm:s6], $0xF7A  }
0x23: {  	s9 =	sor.u32 $0xD0000000, s2;
	s6 =	simm.s32 $0x108;
	_ =	swait.ge @!p0 [sflag:s8], $0x0  }
0x24: {  	s3 =	sadd.s32 $0x88, s3;
	s6 =	simm.s32 @!p1 $0x1082;
	[sflag:s4] =	ssyncset.s32 $0xFFFFF086  }
0x25: {  	[simem:s6], [sflag:s4] =	dma.local [hbm:s3], $0xF7A  }
0x26: {  	[smem:$0x3FA0] =	sst s1;
	(tag) =	ssettag s2;
	_ =	strace s9  }
0x27: {  	s1 =	sld [smem:$0x3FB0]  }
0x28: {  	s2 =	sld [smem:$0x3FB1]  }
0x29: {  	s4 =	sld [smem:$0x3FB3]  }
0x2a: {  	p0 =	seq.s32 s5, $0x0;
	s5 =	sld [smem:$0x3FB4]  }
0x2b: {  	s6 =	sld [smem:$0x3FB5]  }
0x2c: {  	s7 =	sld [smem:$0x3FB6]  }
0x2d: {  	s3 =	simm.s32 $0x108;
	s8 =	sld [smem:$0x3FB7]  }
0x2e: {  	s3 =	simm.s32 @!p0 $0x1082;
	s9 =	sld [smem:$0x3FB8]  }
0x2f: {  	lr =	sadd.s32 s0, s3;
	s0 =	sld [smem:$0x3FAF]  }
0x30: {  	s3 =	sld [smem:$0x3FB2]  }
0x31: {  	[smem:$0x3FBB] =	sst s10  }
0x32: {  	s10 =	sld [smem:$0x3FB9];
	_ =	sdelay $0x3  }
0x33: {  	p0 =	seq.s32 s10, $0x1;
	s10 =	sld [smem:$0x3FBB];
	_ =	sdelay $0x3  }
0x34: {  	[smem:$0x3FBB] =	sst s10  }
0x35: {  	s10 =	sld [smem:$0x3FBA];
	_ =	sdelay $0x3  }
0x36: {  	p1 =	seq.s32 s10, $0x1;
	s10 =	sld [smem:$0x3FBB];
	_ =	sdelay $0x3  }
0x37: {  	[smem:$0x3FBB] =	sst s10  }
0x38: {  	s10 =	sld [smem:$0x3FBC]  }
0x39: {  	_ = 	snop;
	(pc) =	sbr.ind lr, $3  }
0x3a: {  	_ = 	snop  }
0x3b: {  	_ = 	snop  }
0x3c: {  	p2 =	seq.s32 s10, $0x1;
	s10 =	sld [smem:$0x3FBB]  }
0x3d: {  	_ =	shalt  }
0x3e: {  	_ =	shalt  }
0x3f: {  	_ =	shalt  }
0x40: {  	_ =	shalt  }
0x41: {  	_ =	shalt  }
0x42: {  	_ =	shalt  }
0x43: {  	_ =	shalt  }
0x44: {  	_ =	shalt  }
0x45: {  	_ =	shalt  }
0x46: {  	_ =	shalt  }
0x47: {  	_ =	shalt  }
0x48: {  	_ =	shalt  }
0x49: {  	_ =	shalt  }
0x4a: {  	_ =	shalt  }
0x4b: {  	_ =	shalt  }
0x4c: {  	_ =	shalt  }
0x4d: {  	_ =	shalt  }
0x4e: {  	_ =	shalt  }
0x4f: {  	_ =	shalt  }
0x50: {  	_ =	shalt  }
0x51: {  	_ =	shalt  }
0x52: {  	_ =	shalt  }
0x53: {  	_ =	shalt  }
0x54: {  	_ =	shalt  }
0x55: {  	_ =	shalt  }
0x56: {  	_ =	shalt  }
0x57: {  	_ =	shalt  }
0x58: {  	_ =	shalt  }
0x59: {  	_ =	shalt  }
0x5a: {  	_ =	shalt  }
0x5b: {  	_ =	shalt  }
0x5c: {  	_ =	shalt  }
0x5d: {  	_ =	shalt  }
0x5e: {  	_ =	shalt  }
0x5f: {  	_ =	shalt  }
0x60: {  	_ =	shalt  }
0x61: {  	_ =	shalt  }
0x62: {  	_ =	shalt  }
0x63: {  	_ =	shalt  }
0x64: {  	_ =	shalt  }
0x65: {  	_ =	shalt  }
0x66: {  	_ =	shalt  }
0x67: {  	_ =	shalt  }
0x68: {  	_ =	shalt  }
0x69: {  	_ =	shalt  }
0x6a: {  	_ =	shalt  }
0x6b: {  	_ =	shalt  }
0x6c: {  	_ =	shalt  }
0x6d: {  	_ =	shalt  }
0x6e: {  	_ =	shalt  }
0x6f: {  	_ =	shalt  }
0x70: {  	_ =	shalt  }
0x71: {  	_ =	shalt  }
0x72: {  	_ =	shalt  }
0x73: {  	_ =	shalt  }
0x74: {  	_ =	shalt  }
0x75: {  	_ =	shalt  }
0x76: {  	_ =	shalt  }
0x77: {  	_ =	shalt  }
0x78: {  	_ =	shalt  }
0x79: {  	_ =	shalt  }
0x7a: {  	_ =	shalt  }
0x7b: {  	_ =	shalt  }
0x7c: {  	_ =	shalt  }
0x7d: {  	_ =	shalt  }
0x7e: {  	_ =	shalt  }
0x7f: {  	_ =	shalt  }
0x80: {  	_ =	shalt  }
0x81: {  	_ =	shalt  }
0x82: {  	_ =	shalt  }
0x83: {  	_ =	shalt  }
0x84: {  	_ =	shalt  }
0x85: {  	_ =	shalt  }
0x86: {  	_ =	shalt  }
0x87: {  	_ =	shalt  }
.Lfunc_end0:
.L_simem_size_0:
called_computation_lowered:
.L_overlay_start_0:
0x88: {  	s2 =	sld [smem:$0x3FD9]  }
0x89: {  	s3 =	sld [smem:$0x3FFE];
	_ =	sdelay $0x1  }
0x8a: {  	s1 =	srdreg.scid  }
0x8b: {  	s0 =	sand.u32 $0x1, s1  }
0x8c: {  	s17 =	sshll.u32 s0, $0xA;
	s2 =	sadd.s32 s3, s2  }
0x8d: {  	s2 =	sadd.s32 s2, s17  }
0x8e: {  	[smem:$0x3FC7] =	sst s2  }
0x8f: {  	_ = 	snop  }
0x90: {  	s2 =	sld [smem:$0x3FD0];
	(tm) =	ssettm $0x1  }
0x91: {  	s18 =	sld [smem:$0x3FFB];
	_ =	sdelay $0x3  }
0x92: {  	_ =	strace s18  }
0x93: {  	s3 =	sld [smem:$0x3FFC];
	_ =	sdelay $0x3  }
0x94: {  	_ =	strace s3  }
0x95: {  	s3 =	sld [smem:$0x3FFD];
	_ =	sdelay $0x3  }
0x96: {  	_ =	strace s3  }
0x97: {  	_ =	strace $0x8FFFFFFF  }
0x98: {  	s19 =	sld [smem:$0x3FDB];
	_ =	sdelay $0x1  }
0x99: {  	s4 =	simm.s32 $_scs_section_size  }
0x9a: {  	s5 =	simm.s32 $_size__tile_overlayer_lowered;
	s6 =	simm.s32 $_tile_overlayer_lowered  }
0x9b: {  	s22 =	simm.s32 $0x1BFF;
	s21 =	sshll.u32 s6, $0x1;
	s3 =	sadd.s32 s4, s19  }
0x9c: {  	s7 =	simm.s32 $0x0;
	s20 =	sshll.u32 s5, $0x1;
	s5 =	sadd.s32 s21, s3  }
0x9d: {  	[timem:s7], [sflag:s22] =	dma.local [hbm:s5], s20  }
0x9e: {  	_ =	swait.ge [sflag:s22], s20  }
0x9f: {  	s4 =	ssub.s32 $0x0, s20;
	[sflag:s22] =	ssyncset.done $0x0  }
0xa0: {  	[sflag:s22] =	ssyncadd.s32 s4;
	_ =	sdelay $0x1  }
0xa1: {  	s23 =	simm.s32 $0x1B8B  }
0xa2: {  	_ =	swait.ge [sflag:s23], $0x1  }
0xa3: {  	[sflag:s23] =	ssyncset.done $0x0  }
0xa4: {  	s25 =	simm.s32 $0x1B8E;
	s24 =	sld [smem:$0x3FFE];
	[sflag:s23] =	ssyncadd.s32 $0xFFFFFFFF  }
0xa5: {  	s26 =	simm.s32 $execute0_lowered;
	[smem:$0x3FD2] =	sst s25  }
0xa6: {  	s5 =	sshll.u32 s26, $0x1;
	_ =	strace $0x80000046;
	[dreg:$0x1] =	wrdreg $0xFFFFFFFF  }
0xa7: {  	s28 =	simm.s32 $_size_execute0_lowered;
	s3 =	sadd.s32 s3, s5;
	[dreg:$0x0] =	wrdreg $0x0  }
0xa8: {  	s5 =	sshll.u32 s28, $0x1;
	[dreg:$0x2] =	wrdreg s3  }
0xa9: {  	[dreg:$0x3] =	wrdreg s5  }
0xaa: {  	[dreg:$0x4] =	wrdreg $0xC0  }
0xab: {  	_ =	task [dreg:s7], $0x5FFFF  }
0xac: {  	[dreg:$0x1] =	wrdreg $0xFFFFFFFF  }
0xad: {  	[dreg:$0x0] =	wrdreg $0x60  }
0xae: {  	[dreg:$0x2] =	wrdreg s24  }
0xaf: {  	[dreg:$0x3] =	wrdreg s2  }
0xb0: {  	[dreg:$0x4] =	wrdreg $0x9  }
0xb1: {  	_ =	task.clear_ibuf [dreg:s7], $0x5FFFF;
	_ =	strace $0x90000046  }
0xb2: {  	s29 =	simm.s32 $0x9;
	_ =	strace $0x80000048  }
0xb3: {  	_ =	swait.ge [sflag:s29], $0x1  }
0xb4: {  	[sflag:s29] =	ssyncadd.s32 $0xFFFFFFFF  }
0xb5: {  	_ =	strace $0x90000048  }
0xb6: {  	_ =	sfence  }
0xb7: {  	s30 =	sld [smem:$0x0];
	_ =	sdelay $0x2  }
0xb8: {  	s31 =	sshll.u32 s1, $0xD;
	s1 =	sshrl.u32 s1, $0x2  }
0xb9: {  	s3 =	sand.u32 $0x4000, s31;
	s1 =	sadd.s32 s1, s30  }
0xba: {  	s0 =	sor.u32 s3, s0;
	s1 =	sshll.u32 s1, $0x11  }
0xbb: {  	s0 =	sor.u32 s1, s0  }
0xbc: {  	s0 =	sadd.s32 $0x8F2B, s0  }
0xbd: {  	[sflag:s0] =	ssyncadd.remote.s32 $0x1  }
0xbe: {  	_ =	sfence.sel $0xFFFF  }
0xbf: {  	[dreg:$0x0] =	wrdreg $0xFFFFFFFF;
	(pc) =	sbr.abs _section_cstart, $3  }
0xc0: {  	[dreg:$0x1] =	wrdreg $0xFFFFFFFF  }
0xc1: {  	_ =	task.clear_ibuf [dreg:s7], $0x2FFFF;
	_ =	strace $0x9FFFFFFF  }
0xc2: {  	(tm) =	ssettm $0x7FFFFFFF  }
0xc3: {  	_ =	shalt  }
tec
execute0_lowered:
.L_overlay_start_1:
0x0: {  	(tag) =	ssettag $0x1  }
0x1: {  	s0 =	rddreg [dreg:$0x0];
	s1 =	srdreg.scid  }
0x2: {  	s3 =	stileid.u32;
	s2 =	rddreg [dreg:$0x1]  }
0x3: {  	s8 =	simm.s32 $0x3;
	s11 =	simm.s32 $0xB080;
	s12 =	simm.s32 $0xC080  }
0x4: {  	s13 =	simm.s32 $0xD080;
	s14 =	simm.s32 $0xE080;
	s15 =	simm.s32 $0xF080  }
0x5: {  	s16 =	simm.s32 $0x10080;
	s17 =	simm.s32 $0x11080;
	s18 =	simm.s32 $0x12080  }
0x6: {  	s19 =	simm.s32 $0x13080;
	s20 =	simm.s32 $0x14080;
	s21 =	simm.s32 $0x15080  }
0x7: {  	s22 =	simm.s32 $0x16080;
	s23 =	simm.s32 $0x17080;
	s24 =	simm.s32 $0x18080  }
0x8: {  	s1 =	sand.u32 $0x1, s1;
	s4 =	sshll.u32 s3, $0x1;
	s3 =	simm.s32 $0x0  }
0x9: {  	s25 =	simm.s32 $0x19080;
	s4 =	sor.u32 s1, s4;
	[smem:$0x7FF] =	sst s3  }
0xa: {  	s1 =	ssub.s32 $0x2, s1;
	s5 =	sshll.u32 s4, $0xA;
	_ =	strace $0x80000047  }
0xb: {  	s29 =	sshrl.u32 s1, $0x1;
	s6 =	sadd.s32 s5, s0;
	s0 =	sadd.s32 $0x8400, s0  }
0xc: {  	s30 =	ssub.s32 s1, s29;
	[dreg:$0x3] =	wrdreg s0;
	s31 =	sadd.s32 $0x400, s6  }
0xd: {  	s26 =	simm.s32 $0x1A080;
	s0 =	smax.u32 s30, $0x1;
	[dreg:$0x4] =	wrdreg s31  }
0xe: {  	s5 =	sshll.u32 s4, $0x2;
	s4 =	simm.s32 $0x0;
	[dreg:$0x5] =	wrdreg s0  }
.LBB2_1:
0xf: {  	[dreg:$0x6] =	wrdreg s4  }
0x10: {  	s0 =	rddreg [dreg:$0x4]  }
0x11: {  	[tilespmem:s3], [sflag:$0x3] =	stream.linear.gather [hbm4b:s0+s3], $0x2000, $0x38;
	[tilespmem:$0x1A480] =	vst v63  }
0x12: {  	_ =	swait.ge [sflag:s8], $0x2000  }
0x13: {  	[sflag:s8] =	ssyncset.done $0x0  }
0x14: {  	s1 =	simm.s32 $0x2000;
	s30 =	rddreg [dreg:$0x3];
	[sflag:s8] =	ssyncadd.s32 $0xFFFFE000  }
0x15: {  	[tilespmem:s1], [sflag:$0x3] =	stream.linear.gather [hbm4b:s30+s3], $0x8080, $0x38;
	[tilespmem:$0x1A480] =	vst v63  }
0x16: {  	_ =	swait.ge [sflag:s8], $0x8080  }
0x17: {  	[sflag:s8] =	ssyncset.done $0x0  }
0x18: {  	s31 =	simm.s32 $0x0;
	s1 =	simm.s32 $0x0;
	[sflag:s8] =	ssyncadd.s32 $0xFFFF7F80  }
.LBB2_2:
0x19: {  	p0 =	seq.s32 s1, $0x0  }
0x1a: {  	s0 =	simm.s32 @!p0 $0x1  }
0x1b: {  	_ =	swait.ge @!p0 [sflag:s0], $0x1000  }
0x1c: {  	[sflag:s0] =	ssyncset.done @!p0 $0x0  }
0x1d: {  	[sflag:s0] =	ssyncadd.s32 @!p0 $0xFFFFF000  }
0x1e: {  	_ =	swait.ge @!p0 [sflag:s0], $0x1000  }
0x1f: {  	[sflag:s0] =	ssyncset.done @!p0 $0x0  }
0x20: {  	[sflag:s0] =	ssyncadd.s32 @!p0 $0xFFFFF000  }
0x21: {  	_ =	swait.ge @!p0 [sflag:s0], $0x1000  }
0x22: {  	[sflag:s0] =	ssyncset.done @!p0 $0x0  }
0x23: {  	[sflag:s0] =	ssyncadd.s32 @!p0 $0xFFFFF000  }
0x24: {  	_ =	swait.ge @!p0 [sflag:s0], $0x1000  }
0x25: {  	[sflag:s0] =	ssyncset.done @!p0 $0x0  }
0x26: {  	[sflag:s0] =	ssyncadd.s32 @!p0 $0xFFFFF000  }
0x27: {  	_ =	swait.ge @!p0 [sflag:s0], $0x1000  }
0x28: {  	[sflag:s0] =	ssyncset.done @!p0 $0x0  }
0x29: {  	[sflag:s0] =	ssyncadd.s32 @!p0 $0xFFFFF000  }
0x2a: {  	_ =	swait.ge @!p0 [sflag:s0], $0x1000  }
0x2b: {  	[sflag:s0] =	ssyncset.done @!p0 $0x0  }
0x2c: {  	[sflag:s0] =	ssyncadd.s32 @!p0 $0xFFFFF000  }
0x2d: {  	_ =	swait.ge @!p0 [sflag:s0], $0x1000  }
0x2e: {  	[sflag:s0] =	ssyncset.done @!p0 $0x0  }
0x2f: {  	[sflag:s0] =	ssyncadd.s32 @!p0 $0xFFFFF000  }
0x30: {  	s9 =	simm.s32 $0x0;
	s4 =	sadd.s32 $0x0, s31;
	_ =	swait.ge @!p0 [sflag:s0], $0x1000  }
0x31: {  	s4 =	sand.u32 $0x6F80, s4;
	s6 =	sand.u32 $0x70, s9;
	[sflag:s0] =	ssyncset.done @!p0 $0x0  }
0x32: {  	s10 =	sor.u32 s6, s4;
	[sflag:s0] =	ssyncadd.s32 @!p0 $0xFFFFF000  }
0x33: {  	v1 =	vld [tilespmem:s10+$0x2000];
	_ =	sdelay $0x2  }
0x34: {  	s4 =	sshrl.u32 s1, $0x2  }
0x35: {  	s28 =	sshll.u32 s4, $0xB  }
0x36: {  	v0 =	vmov s28;
	v2 =	vshra.s32 v1, $0x8  }
0x37: {  	v1 =	vand.u32 $0xFF, v1;
	v3 =	vadd.s32 v0, v2  }
0x38: {  	v1 =	vor.u32 v0, v1;
	_ =	sdelay $0x3  }
0x39: {  	v4 =	vld.idx.msk [tilespmem:v3+s3+$0x0], $0xffff  }
0x3a: {  	v5 =	vld.idx.msk [tilespmem:v1+s3+$0x0], $0xffff  }
0x3b: {  	v2 =	vand.u32 $0x7F, v2;
	v3 =	vand.u32 $0xFFFFFF80, v3  }
0x3c: {  	v2 =	vor.u32 v2, v3  }
0x3d: {  	v3 =	vadd.s32 $0x100, v2  }
0x3e: {  	v6 =	vor.u32 $0x100, v1  }
0x3f: {  	s29 =	sand.u32 $0x7C00, s9;
	v4 =	vmul.f32 v5, v4  }
0x40: {  	s6 =	sor.u32 s6, s29  }
0x41: {  	[tilespmem:s6+$0xA080] =	vst v4  }
0x42: {  	v3 =	vld.idx.msk [tilespmem:v3+s3+$0x0], $0xffff  }
0x43: {  	v4 =	vld.idx.msk [tilespmem:v6+s3+$0x0], $0xffff;
	_ =	sdelay $0x2  }
0x44: {  	v48 =	vadd.s32 $0x200, v2  }
0x45: {  	v49 =	vor.u32 $0x200, v1  }
0x46: {  	v3 =	vmul.f32 v4, v3;
	_ =	sdelay $0x1  }
0x47: {  	[tilespmem:s6+$0xA100] =	vst v3  }
0x48: {  	v3 =	vld.idx.msk [tilespmem:v48+s3+$0x0], $0xffff  }
0x49: {  	v50 =	vld.idx.msk [tilespmem:v49+s3+$0x0], $0xffff;
	_ =	sdelay $0x2  }
0x4a: {  	v51 =	vadd.s32 $0x300, v2  }
0x4b: {  	v52 =	vor.u32 $0x300, v1  }
0x4c: {  	v3 =	vmul.f32 v50, v3;
	_ =	sdelay $0x1  }
0x4d: {  	[tilespmem:s6+$0xA180] =	vst v3  }
0x4e: {  	v3 =	vld.idx.msk [tilespmem:v51+s3+$0x0], $0xffff  }
0x4f: {  	v53 =	vld.idx.msk [tilespmem:v52+s3+$0x0], $0xffff;
	_ =	sdelay $0x2  }
0x50: {  	v54 =	vadd.s32 $0x400, v2  }
0x51: {  	v55 =	vor.u32 $0x400, v1  }
0x52: {  	v3 =	vmul.f32 v53, v3;
	_ =	sdelay $0x1  }
0x53: {  	[tilespmem:s6+$0xA200] =	vst v3  }
0x54: {  	v3 =	vld.idx.msk [tilespmem:v54+s3+$0x0], $0xffff  }
0x55: {  	v56 =	vld.idx.msk [tilespmem:v55+s3+$0x0], $0xffff;
	_ =	sdelay $0x2  }
0x56: {  	v57 =	vadd.s32 $0x500, v2  }
0x57: {  	v58 =	vor.u32 $0x500, v1  }
0x58: {  	v3 =	vmul.f32 v56, v3;
	_ =	sdelay $0x1  }
0x59: {  	[tilespmem:s6+$0xA280] =	vst v3  }
0x5a: {  	v3 =	vld.idx.msk [tilespmem:v57+s3+$0x0], $0xffff  }
0x5b: {  	v59 =	vld.idx.msk [tilespmem:v58+s3+$0x0], $0xffff;
	_ =	sdelay $0x2  }
0x5c: {  	v60 =	vadd.s32 $0x600, v2  }
0x5d: {  	v61 =	vor.u32 $0x600, v1  }
0x5e: {  	v3 =	vmul.f32 v59, v3;
	_ =	sdelay $0x1  }
0x5f: {  	[tilespmem:s6+$0xA300] =	vst v3  }
0x60: {  	v3 =	vld.idx.msk [tilespmem:v60+s3+$0x0], $0xffff  }
0x61: {  	v62 =	vld.idx.msk [tilespmem:v61+s3+$0x0], $0xffff;
	_ =	sdelay $0x4  }
0x62: {  	v63 =	vadd.s32 $0x700, v2;
	v2 =	vmul.f32 v62, v3;
	_ =	sdelay $0x1  }
0x63: {  	[tilespmem:s6+$0xA380] =	vst v2;
	v2 =	vor.u32 $0x700, v1;
	_ =	sdelay $0x1  }
0x64: {  	s7 =	sand.u32 $0x3, s1  }
0x65: {  	s30 =	simm.s32 $0x80;
	s0 =	sshllo.u32 s7, $0x1;
	v1 =	vld.idx.msk [tilespmem:v63+s3+$0x0], $0xffff  }
.LBB2_3:
0x66: {  	p1 =	sne.s32 s30, $0x7F80  }
0x67: {  	v2 =	vld.idx.msk [tilespmem:v2+s3+$0x0], $0xffff;
	s9 =	sadd.s32 $0x10, s9;
	s28 =	smov.u32 s30;
	s30 =	sadd.s32 $0x80, s30  }
0x68: {  	_ =	sdelay $0x4  }
0x69: {  	s29 =	sadd.s32 s9, s31;
	v1 =	vmul.f32 v2, v1  }
0x6a: {  	s10 =	sand.u32 $0x70, s9;
	s29 =	sand.u32 $0x6F80, s29  }
0x6b: {  	s29 =	sor.u32 s10, s29;
	[tilespmem:s6+$0xA400] =	vst v1  }
0x6c: {  	v1 =	vld [tilespmem:s29+$0x2000];
	_ =	sdelay $0x4  }
0x6d: {  	v2 =	vshra.s32 v1, $0x8;
	v1 =	vand.u32 $0xFF, v1  }
0x6e: {  	v3 =	vadd.s32 v0, v2;
	v1 =	vor.u32 v0, v1  }
0x6f: {  	v2 =	vand.u32 $0x7F, v2;
	v4 =	vand.u32 $0xFFFFFF80, v3  }
0x70: {  	v2 =	vor.u32 v2, v4;
	_ =	sdelay $0x2  }
0x71: {  	v3 =	vld.idx.msk [tilespmem:v3+s3+$0x0], $0xffff  }
0x72: {  	v4 =	vld.idx.msk [tilespmem:v1+s3+$0x0], $0xffff;
	_ =	sdelay $0x3  }
0x73: {  	v6 =	vor.u32 $0x100, v1;
	v5 =	vadd.s32 $0x100, v2  }
0x74: {  	s6 =	sand.u32 $0x7C00, s28  }
0x75: {  	s6 =	sor.u32 s10, s6;
	v3 =	vmul.f32 v4, v3;
	_ =	sdelay $0x1  }
0x76: {  	[tilespmem:s6+$0xA080] =	vst v3  }
0x77: {  	v3 =	vld.idx.msk [tilespmem:v5+s3+$0x0], $0xffff  }
0x78: {  	v4 =	vld.idx.msk [tilespmem:v6+s3+$0x0], $0xffff;
	_ =	sdelay $0x3  }
0x79: {  	v5 =	vadd.s32 $0x200, v2;
	v6 =	vor.u32 $0x200, v1;
	_ =	sdelay $0x1  }
0x7a: {  	v3 =	vmul.f32 v4, v3;
	_ =	sdelay $0x1  }
0x7b: {  	[tilespmem:s6+$0xA100] =	vst v3  }
0x7c: {  	v3 =	vld.idx.msk [tilespmem:v5+s3+$0x0], $0xffff  }
0x7d: {  	v4 =	vld.idx.msk [tilespmem:v6+s3+$0x0], $0xffff;
	_ =	sdelay $0x3  }
0x7e: {  	v5 =	vadd.s32 $0x300, v2;
	v6 =	vor.u32 $0x300, v1;
	_ =	sdelay $0x1  }
0x7f: {  	v3 =	vmul.f32 v4, v3;
	_ =	sdelay $0x1  }
0x80: {  	[tilespmem:s6+$0xA180] =	vst v3  }
0x81: {  	v3 =	vld.idx.msk [tilespmem:v5+s3+$0x0], $0xffff  }
0x82: {  	v4 =	vld.idx.msk [tilespmem:v6+s3+$0x0], $0xffff;
	_ =	sdelay $0x3  }
0x83: {  	v5 =	vadd.s32 $0x400, v2;
	v6 =	vor.u32 $0x400, v1;
	_ =	sdelay $0x1  }
0x84: {  	v3 =	vmul.f32 v4, v3;
	_ =	sdelay $0x1  }
0x85: {  	[tilespmem:s6+$0xA200] =	vst v3  }
0x86: {  	v3 =	vld.idx.msk [tilespmem:v5+s3+$0x0], $0xffff  }
0x87: {  	v4 =	vld.idx.msk [tilespmem:v6+s3+$0x0], $0xffff;
	_ =	sdelay $0x3  }
0x88: {  	v5 =	vadd.s32 $0x500, v2;
	v6 =	vor.u32 $0x500, v1;
	_ =	sdelay $0x1  }
0x89: {  	v3 =	vmul.f32 v4, v3;
	_ =	sdelay $0x1  }
0x8a: {  	[tilespmem:s6+$0xA280] =	vst v3  }
0x8b: {  	v3 =	vld.idx.msk [tilespmem:v5+s3+$0x0], $0xffff  }
0x8c: {  	v4 =	vld.idx.msk [tilespmem:v6+s3+$0x0], $0xffff;
	_ =	sdelay $0x3  }
0x8d: {  	v5 =	vadd.s32 $0x600, v2;
	v6 =	vor.u32 $0x600, v1;
	_ =	sdelay $0x1  }
0x8e: {  	v3 =	vmul.f32 v4, v3;
	_ =	sdelay $0x1  }
0x8f: {  	[tilespmem:s6+$0xA300] =	vst v3  }
0x90: {  	v3 =	vld.idx.msk [tilespmem:v5+s3+$0x0], $0xffff  }
0x91: {  	v4 =	vld.idx.msk [tilespmem:v6+s3+$0x0], $0xffff;
	_ =	sdelay $0x3  }
0x92: {  	v5 =	vadd.s32 $0x700, v2;
	v2 =	vor.u32 $0x700, v1  }
.Ltmp0:
0x93: {  	(pc) =	sbr.rel @p1 .LBB2_3-.Ltmp0, $3  }
0x94: {  	v1 =	vmul.f32 v4, v3;
	_ =	sdelay $0x1  }
0x95: {  	[tilespmem:s6+$0xA380] =	vst v1  }
0x96: {  	v1 =	vld.idx.msk [tilespmem:v5+s3+$0x0], $0xffff  }
0x97: {  	_ =	sdelay $0x3  }
0x98: {  	v2 =	vld.idx.msk [tilespmem:v2+s3+$0x0], $0xffff;
	_ =	sdelay $0x1  }
0x99: {  	s4 =	sor.u32 s5, s4  }
0x9a: {  	s9 =	smul.u32 $0x40400, s4  }
0x9b: {  	s29 =	sshll.u32 s7, $0x10  }
0x9c: {  	s4 =	sadd.s32 s29, s9;
	v1 =	vmul.f32 v2, v1  }
0x9d: {  	s4 =	sshrl.u32 s4, $0x3  }
0x9e: {  	s7 =	simm.s32 $0xA080;
	s4 =	sadd.s32 s2, s4;
	[tilespmem:s6+$0xA400] =	vst v1  }
0x9f: {  	[hbm4b:s4+s3] =	stream.linear.scatter [tilespmem:s7], [sflag:$0x1], $0x1000, $0x38;
	[tilespmem:$0x1A480] =	vst v63  }
0xa0: {  	s10 =	sadd.s32 $0x200, s4  }
0xa1: {  	[hbm4b:s10+s3] =	stream.linear.scatter [tilespmem:s11], [sflag:$0x1], $0x1000, $0x38;
	[tilespmem:$0x1A480] =	vst v63  }
0xa2: {  	s28 =	sadd.s32 $0x400, s4  }
0xa3: {  	[hbm4b:s28+s3] =	stream.linear.scatter [tilespmem:s12], [sflag:$0x1], $0x1000, $0x38;
	[tilespmem:$0x1A480] =	vst v63  }
0xa4: {  	s29 =	sadd.s32 $0x600, s4  }
0xa5: {  	[hbm4b:s29+s3] =	stream.linear.scatter [tilespmem:s13], [sflag:$0x1], $0x1000, $0x38;
	[tilespmem:$0x1A480] =	vst v63  }
0xa6: {  	s7 =	sadd.s32 $0x800, s4  }
0xa7: {  	[hbm4b:s7+s3] =	stream.linear.scatter [tilespmem:s14], [sflag:$0x1], $0x1000, $0x38;
	[tilespmem:$0x1A480] =	vst v63  }
0xa8: {  	s10 =	sadd.s32 $0xA00, s4  }
0xa9: {  	[hbm4b:s10+s3] =	stream.linear.scatter [tilespmem:s15], [sflag:$0x1], $0x1000, $0x38;
	[tilespmem:$0x1A480] =	vst v63  }
0xaa: {  	s28 =	sadd.s32 $0xC00, s4  }
0xab: {  	[hbm4b:s28+s3] =	stream.linear.scatter [tilespmem:s16], [sflag:$0x1], $0x1000, $0x38;
	[tilespmem:$0x1A480] =	vst v63  }
0xac: {  	s4 =	sadd.s32 $0xE00, s4;
	s7 =	simm.s32 @!p0 $0x2  }
0xad: {  	[hbm4b:s4+s3] =	stream.linear.scatter [tilespmem:s17], [sflag:$0x1], $0x1000, $0x38;
	[tilespmem:$0x1A480] =	vst v63  }
0xae: {  	_ =	swait.ge @!p0 [sflag:s7], $0x1000  }
0xaf: {  	[sflag:s7] =	ssyncset.done @!p0 $0x0  }
0xb0: {  	[sflag:s7] =	ssyncadd.s32 @!p0 $0xFFFFF000  }
0xb1: {  	_ =	swait.ge @!p0 [sflag:s7], $0x1000  }
0xb2: {  	[sflag:s7] =	ssyncset.done @!p0 $0x0  }
0xb3: {  	[sflag:s7] =	ssyncadd.s32 @!p0 $0xFFFFF000  }
0xb4: {  	_ =	swait.ge @!p0 [sflag:s7], $0x1000  }
0xb5: {  	[sflag:s7] =	ssyncset.done @!p0 $0x0  }
0xb6: {  	[sflag:s7] =	ssyncadd.s32 @!p0 $0xFFFFF000  }
0xb7: {  	_ =	swait.ge @!p0 [sflag:s7], $0x1000  }
0xb8: {  	[sflag:s7] =	ssyncset.done @!p0 $0x0  }
0xb9: {  	[sflag:s7] =	ssyncadd.s32 @!p0 $0xFFFFF000  }
0xba: {  	_ =	swait.ge @!p0 [sflag:s7], $0x1000  }
0xbb: {  	[sflag:s7] =	ssyncset.done @!p0 $0x0  }
0xbc: {  	[sflag:s7] =	ssyncadd.s32 @!p0 $0xFFFFF000  }
0xbd: {  	_ =	swait.ge @!p0 [sflag:s7], $0x1000  }
0xbe: {  	[sflag:s7] =	ssyncset.done @!p0 $0x0  }
0xbf: {  	[sflag:s7] =	ssyncadd.s32 @!p0 $0xFFFFF000  }
0xc0: {  	_ =	swait.ge @!p0 [sflag:s7], $0x1000  }
0xc1: {  	[sflag:s7] =	ssyncset.done @!p0 $0x0  }
0xc2: {  	s29 =	sshll.u32 s0, $0xC;
	s4 =	simm.s32 $0x0;
	[sflag:s7] =	ssyncadd.s32 @!p0 $0xFFFFF000  }
0xc3: {  	s6 =	sadd.s32 $0x2000, s29;
	s10 =	sand.u32 $0xF80, s4;
	_ =	swait.ge @!p0 [sflag:s7], $0x1000  }
0xc4: {  	s28 =	sand.u32 $0x70, s4;
	s10 =	sadd.s32 s10, s6;
	[sflag:s7] =	ssyncset.done @!p0 $0x0  }
0xc5: {  	s10 =	sadd.s32 s28, s10;
	[sflag:s7] =	ssyncadd.s32 @!p0 $0xFFFFF000  }
0xc6: {  	v1 =	vld [tilespmem:s10+$0x0];
	_ =	sdelay $0x4  }
0xc7: {  	v2 =	vshra.s32 v1, $0x8  }
0xc8: {  	v1 =	vand.u32 $0xFF, v1;
	v3 =	vadd.s32 v0, v2  }
0xc9: {  	v1 =	vor.u32 v0, v1;
	_ =	sdelay $0x3  }
0xca: {  	v4 =	vld.idx.msk [tilespmem:v3+s3+$0x0], $0xffff  }
0xcb: {  	v5 =	vld.idx.msk [tilespmem:v1+s3+$0x0], $0xffff  }
0xcc: {  	v2 =	vand.u32 $0x7F, v2;
	v3 =	vand.u32 $0xFFFFFF80, v3  }
0xcd: {  	v2 =	vor.u32 v2, v3  }
0xce: {  	v3 =	vadd.s32 $0x100, v2  }
0xcf: {  	v6 =	vor.u32 $0x100, v1  }
0xd0: {  	s29 =	sand.u32 $0x7C00, s4;
	v4 =	vmul.f32 v5, v4  }
0xd1: {  	s7 =	sor.u32 s28, s29  }
0xd2: {  	[tilespmem:s7+$0x12080] =	vst v4  }
0xd3: {  	v3 =	vld.idx.msk [tilespmem:v3+s3+$0x0], $0xffff  }
0xd4: {  	v4 =	vld.idx.msk [tilespmem:v6+s3+$0x0], $0xffff;
	_ =	sdelay $0x2  }
0xd5: {  	v48 =	vadd.s32 $0x200, v2  }
0xd6: {  	v49 =	vor.u32 $0x200, v1  }
0xd7: {  	v3 =	vmul.f32 v4, v3  }
0xd8: {  	s30 =	sadd.s32 $0x12080, s7  }
0xd9: {  	[tilespmem:s30+$0x80] =	vst v3  }
0xda: {  	v3 =	vld.idx.msk [tilespmem:v48+s3+$0x0], $0xffff  }
0xdb: {  	v50 =	vld.idx.msk [tilespmem:v49+s3+$0x0], $0xffff;
	_ =	sdelay $0x2  }
0xdc: {  	v51 =	vadd.s32 $0x300, v2  }
0xdd: {  	v52 =	vor.u32 $0x300, v1  }
0xde: {  	v3 =	vmul.f32 v50, v3;
	_ =	sdelay $0x1  }
0xdf: {  	[tilespmem:s30+$0x100] =	vst v3  }
0xe0: {  	v3 =	vld.idx.msk [tilespmem:v51+s3+$0x0], $0xffff  }
0xe1: {  	v53 =	vld.idx.msk [tilespmem:v52+s3+$0x0], $0xffff;
	_ =	sdelay $0x2  }
0xe2: {  	v54 =	vadd.s32 $0x400, v2  }
0xe3: {  	v55 =	vor.u32 $0x400, v1  }
0xe4: {  	v3 =	vmul.f32 v53, v3;
	_ =	sdelay $0x1  }
0xe5: {  	[tilespmem:s30+$0x180] =	vst v3  }
0xe6: {  	v3 =	vld.idx.msk [tilespmem:v54+s3+$0x0], $0xffff  }
0xe7: {  	v56 =	vld.idx.msk [tilespmem:v55+s3+$0x0], $0xffff;
	_ =	sdelay $0x2  }
0xe8: {  	v57 =	vadd.s32 $0x500, v2  }
0xe9: {  	v58 =	vor.u32 $0x500, v1  }
0xea: {  	v3 =	vmul.f32 v56, v3;
	_ =	sdelay $0x1  }
0xeb: {  	[tilespmem:s30+$0x200] =	vst v3  }
0xec: {  	v3 =	vld.idx.msk [tilespmem:v57+s3+$0x0], $0xffff  }
0xed: {  	v59 =	vld.idx.msk [tilespmem:v58+s3+$0x0], $0xffff;
	_ =	sdelay $0x2  }
0xee: {  	v60 =	vadd.s32 $0x600, v2  }
0xef: {  	v61 =	vor.u32 $0x600, v1  }
0xf0: {  	v3 =	vmul.f32 v59, v3;
	_ =	sdelay $0x1  }
0xf1: {  	[tilespmem:s30+$0x280] =	vst v3  }
0xf2: {  	v3 =	vld.idx.msk [tilespmem:v60+s3+$0x0], $0xffff  }
0xf3: {  	v62 =	vld.idx.msk [tilespmem:v61+s3+$0x0], $0xffff;
	_ =	sdelay $0x4  }
0xf4: {  	v63 =	vadd.s32 $0x700, v2;
	v2 =	vmul.f32 v62, v3;
	_ =	sdelay $0x1  }
0xf5: {  	[tilespmem:s30+$0x300] =	vst v2;
	v2 =	vor.u32 $0x700, v1;
	_ =	sdelay $0x2  }
0xf6: {  	s7 =	simm.s32 $0x80;
	v1 =	vld.idx.msk [tilespmem:v63+s3+$0x0], $0xffff  }
.LBB2_5:
0xf7: {  	p0 =	sne.s32 s7, $0x7F80  }
0xf8: {  	v2 =	vld.idx.msk [tilespmem:v2+s3+$0x0], $0xffff;
	s4 =	sadd.s32 $0x10, s4;
	s10 =	smov.u32 s7;
	s7 =	sadd.s32 $0x80, s7  }
0xf9: {  	_ =	sdelay $0x4  }
0xfa: {  	s28 =	sand.u32 $0xF80, s4;
	v1 =	vmul.f32 v2, v1  }
0xfb: {  	s29 =	sand.u32 $0x70, s4;
	s28 =	sadd.s32 s28, s6  }
0xfc: {  	s28 =	sadd.s32 s29, s28;
	[tilespmem:s30+$0x380] =	vst v1  }
0xfd: {  	v1 =	vld [tilespmem:s28+$0x0];
	_ =	sdelay $0x4  }
0xfe: {  	v2 =	vshra.s32 v1, $0x8;
	v1 =	vand.u32 $0xFF, v1  }
0xff: {  	v3 =	vadd.s32 v0, v2;
	v1 =	vor.u32 v0, v1  }
0x100: {  	v2 =	vand.u32 $0x7F, v2;
	v4 =	vand.u32 $0xFFFFFF80, v3  }
0x101: {  	v2 =	vor.u32 v2, v4;
	_ =	sdelay $0x2  }
0x102: {  	v3 =	vld.idx.msk [tilespmem:v3+s3+$0x0], $0xffff  }
0x103: {  	v4 =	vld.idx.msk [tilespmem:v1+s3+$0x0], $0xffff;
	_ =	sdelay $0x3  }
0x104: {  	v6 =	vor.u32 $0x100, v1;
	v5 =	vadd.s32 $0x100, v2  }
0x105: {  	s10 =	sand.u32 $0x7C00, s10  }
0x106: {  	s10 =	sor.u32 s29, s10;
	v3 =	vmul.f32 v4, v3;
	_ =	sdelay $0x1  }
0x107: {  	[tilespmem:s10+$0x12080] =	vst v3  }
0x108: {  	v3 =	vld.idx.msk [tilespmem:v5+s3+$0x0], $0xffff  }
0x109: {  	v4 =	vld.idx.msk [tilespmem:v6+s3+$0x0], $0xffff;
	_ =	sdelay $0x3  }
0x10a: {  	v5 =	vadd.s32 $0x200, v2;
	v6 =	vor.u32 $0x200, v1  }
0x10b: {  	s30 =	sadd.s32 $0x12080, s10  }
0x10c: {  	v3 =	vmul.f32 v4, v3;
	_ =	sdelay $0x1  }
0x10d: {  	[tilespmem:s30+$0x80] =	vst v3  }
0x10e: {  	v3 =	vld.idx.msk [tilespmem:v5+s3+$0x0], $0xffff  }
0x10f: {  	v4 =	vld.idx.msk [tilespmem:v6+s3+$0x0], $0xffff;
	_ =	sdelay $0x3  }
0x110: {  	v5 =	vadd.s32 $0x300, v2;
	v6 =	vor.u32 $0x300, v1;
	_ =	sdelay $0x1  }
0x111: {  	v3 =	vmul.f32 v4, v3;
	_ =	sdelay $0x1  }
0x112: {  	[tilespmem:s30+$0x100] =	vst v3  }
0x113: {  	v3 =	vld.idx.msk [tilespmem:v5+s3+$0x0], $0xffff  }
0x114: {  	v4 =	vld.idx.msk [tilespmem:v6+s3+$0x0], $0xffff;
	_ =	sdelay $0x3  }
0x115: {  	v5 =	vadd.s32 $0x400, v2;
	v6 =	vor.u32 $0x400, v1;
	_ =	sdelay $0x1  }
0x116: {  	v3 =	vmul.f32 v4, v3;
	_ =	sdelay $0x1  }
0x117: {  	[tilespmem:s30+$0x180] =	vst v3  }
0x118: {  	v3 =	vld.idx.msk [tilespmem:v5+s3+$0x0], $0xffff  }
0x119: {  	v4 =	vld.idx.msk [tilespmem:v6+s3+$0x0], $0xffff;
	_ =	sdelay $0x3  }
0x11a: {  	v5 =	vadd.s32 $0x500, v2;
	v6 =	vor.u32 $0x500, v1;
	_ =	sdelay $0x1  }
0x11b: {  	v3 =	vmul.f32 v4, v3;
	_ =	sdelay $0x1  }
0x11c: {  	[tilespmem:s30+$0x200] =	vst v3  }
0x11d: {  	v3 =	vld.idx.msk [tilespmem:v5+s3+$0x0], $0xffff  }
0x11e: {  	v4 =	vld.idx.msk [tilespmem:v6+s3+$0x0], $0xffff;
	_ =	sdelay $0x3  }
0x11f: {  	v5 =	vadd.s32 $0x600, v2;
	v6 =	vor.u32 $0x600, v1;
	_ =	sdelay $0x1  }
0x120: {  	v3 =	vmul.f32 v4, v3;
	_ =	sdelay $0x1  }
0x121: {  	[tilespmem:s30+$0x280] =	vst v3  }
0x122: {  	v3 =	vld.idx.msk [tilespmem:v5+s3+$0x0], $0xffff  }
0x123: {  	v4 =	vld.idx.msk [tilespmem:v6+s3+$0x0], $0xffff;
	_ =	sdelay $0x3  }
0x124: {  	v5 =	vadd.s32 $0x700, v2;
	v2 =	vor.u32 $0x700, v1  }
.Ltmp1:
0x125: {  	(pc) =	sbr.rel @p0 .LBB2_5-.Ltmp1, $3  }
0x126: {  	v1 =	vmul.f32 v4, v3;
	_ =	sdelay $0x1  }
0x127: {  	[tilespmem:s30+$0x300] =	vst v1  }
0x128: {  	v1 =	vld.idx.msk [tilespmem:v5+s3+$0x0], $0xffff  }
0x129: {  	_ =	sdelay $0x3  }
0x12a: {  	v0 =	vld.idx.msk [tilespmem:v2+s3+$0x0], $0xffff;
	_ =	sdelay $0x3  }
0x12b: {  	s0 =	sshll.u32 s0, $0xF  }
0x12c: {  	s0 =	sadd.s32 s9, s0;
	v0 =	vmul.f32 v0, v1  }
0x12d: {  	s0 =	sshrl.u32 s0, $0x3  }
0x12e: {  	s4 =	sadd.s32 s2, s0;
	s0 =	simm.s32 $0x0;
	[tilespmem:s30+$0x380] =	vst v0  }
0x12f: {  	[hbm4b:s4+s0] =	stream.linear.scatter [tilespmem:s18], [sflag:$0x2], $0x1000, $0x38;
	[tilespmem:$0x1A480] =	vst v63  }
0x130: {  	s6 =	sadd.s32 $0x200, s4  }
0x131: {  	[hbm4b:s6+s0] =	stream.linear.scatter [tilespmem:s19], [sflag:$0x2], $0x1000, $0x38;
	[tilespmem:$0x1A480] =	vst v63  }
0x132: {  	s9 =	sadd.s32 $0x400, s4  }
0x133: {  	[hbm4b:s9+s0] =	stream.linear.scatter [tilespmem:s20], [sflag:$0x2], $0x1000, $0x38;
	[tilespmem:$0x1A480] =	vst v63  }
0x134: {  	s10 =	sadd.s32 $0x600, s4  }
0x135: {  	[hbm4b:s10+s0] =	stream.linear.scatter [tilespmem:s21], [sflag:$0x2], $0x1000, $0x38;
	[tilespmem:$0x1A480] =	vst v63  }
0x136: {  	s1 =	sadd.s32 $0x1, s1;
	s28 =	sadd.s32 $0x800, s4  }
0x137: {  	[hbm4b:s28+s0] =	stream.linear.scatter [tilespmem:s22], [sflag:$0x2], $0x1000, $0x38;
	[tilespmem:$0x1A480] =	vst v63  }
0x138: {  	p0 =	sne.s32 s1, $0x10;
	s29 =	sadd.s32 $0xA00, s4  }
0x139: {  	[hbm4b:s29+s0] =	stream.linear.scatter [tilespmem:s23], [sflag:$0x2], $0x1000, $0x38;
	[tilespmem:$0x1A480] =	vst v63  }
.Ltmp2:
0x13a: {  	_ = 	snop;
	(pc) =	sbr.rel @p0 .LBB2_2-.Ltmp2, $4  }
0x13b: {  	s30 =	sadd.s32 $0xC00, s4  }
0x13c: {  	[hbm4b:s30+s0] =	stream.linear.scatter [tilespmem:s24], [sflag:$0x2], $0x1000, $0x38;
	[tilespmem:$0x1A480] =	vst v63  }
0x13d: {  	s31 =	sadd.s32 $0x2000, s31;
	s4 =	sadd.s32 $0xE00, s4  }
0x13e: {  	[hbm4b:s4+s0] =	stream.linear.scatter [tilespmem:s25], [sflag:$0x2], $0x1000, $0x38;
	[tilespmem:$0x1A480] =	vst v63  }
.LBB2_7:
0x13f: {  	s1 =	simm.s32 $0x0  }
0x140: {  	v1 =	vld [tilespmem:s1+$0xA000];
	_ =	sdelay $0x3  }
0x141: {  	s4 =	sshll.u32 s0, $0xB  }
0x142: {  	v0 =	vmov s4;
	v2 =	vshra.s32 v1, $0x8  }
0x143: {  	v1 =	vand.u32 $0xFF, v1;
	v3 =	vadd.s32 v0, v2  }
0x144: {  	v1 =	vor.u32 v0, v1;
	_ =	sdelay $0x3  }
0x145: {  	v4 =	vld.idx.msk [tilespmem:v3+s3+$0x0], $0xffff  }
0x146: {  	v5 =	vld.idx.msk [tilespmem:v1+s3+$0x0], $0xffff  }
0x147: {  	v2 =	vand.u32 $0x7F, v2;
	v3 =	vand.u32 $0xFFFFFF80, v3  }
0x148: {  	v2 =	vor.u32 v2, v3  }
0x149: {  	v3 =	vadd.s32 $0x100, v2  }
0x14a: {  	v6 =	vor.u32 $0x100, v1  }
0x14b: {  	v4 =	vmul.f32 v5, v4;
	_ =	sdelay $0x1  }
0x14c: {  	[tilespmem:s1+$0x1A080] =	vst v4  }
0x14d: {  	v3 =	vld.idx.msk [tilespmem:v3+s3+$0x0], $0xffff  }
0x14e: {  	v4 =	vld.idx.msk [tilespmem:v6+s3+$0x0], $0xffff;
	_ =	sdelay $0x2  }
0x14f: {  	v5 =	vadd.s32 $0x200, v2  }
0x150: {  	v59 =	vor.u32 $0x200, v1  }
0x151: {  	v3 =	vmul.f32 v4, v3;
	_ =	sdelay $0x1  }
0x152: {  	[tilespmem:s1+$0x1A100] =	vst v3  }
0x153: {  	v3 =	vld.idx.msk [tilespmem:v5+s3+$0x0], $0xffff  }
0x154: {  	v4 =	vld.idx.msk [tilespmem:v59+s3+$0x0], $0xffff;
	_ =	sdelay $0x2  }
0x155: {  	v5 =	vadd.s32 $0x300, v2  }
0x156: {  	v60 =	vor.u32 $0x300, v1  }
0x157: {  	v3 =	vmul.f32 v4, v3;
	_ =	sdelay $0x1  }
0x158: {  	[tilespmem:s1+$0x1A180] =	vst v3  }
0x159: {  	v3 =	vld.idx.msk [tilespmem:v5+s3+$0x0], $0xffff  }
0x15a: {  	v4 =	vld.idx.msk [tilespmem:v60+s3+$0x0], $0xffff;
	_ =	sdelay $0x2  }
0x15b: {  	v5 =	vadd.s32 $0x400, v2  }
0x15c: {  	v61 =	vor.u32 $0x400, v1  }
0x15d: {  	v3 =	vmul.f32 v4, v3;
	_ =	sdelay $0x1  }
0x15e: {  	[tilespmem:s1+$0x1A200] =	vst v3  }
0x15f: {  	v3 =	vld.idx.msk [tilespmem:v5+s3+$0x0], $0xffff  }
0x160: {  	v4 =	vld.idx.msk [tilespmem:v61+s3+$0x0], $0xffff;
	_ =	sdelay $0x2  }
0x161: {  	v5 =	vadd.s32 $0x500, v2  }
0x162: {  	v62 =	vor.u32 $0x500, v1  }
0x163: {  	v3 =	vmul.f32 v4, v3;
	_ =	sdelay $0x1  }
0x164: {  	[tilespmem:s1+$0x1A280] =	vst v3  }
0x165: {  	v3 =	vld.idx.msk [tilespmem:v5+s3+$0x0], $0xffff  }
0x166: {  	v4 =	vld.idx.msk [tilespmem:v62+s3+$0x0], $0xffff;
	_ =	sdelay $0x2  }
0x167: {  	v5 =	vadd.s32 $0x600, v2  }
0x168: {  	v63 =	vor.u32 $0x600, v1  }
0x169: {  	v3 =	vmul.f32 v4, v3;
	_ =	sdelay $0x1  }
0x16a: {  	[tilespmem:s1+$0x1A300] =	vst v3  }
0x16b: {  	v3 =	vld.idx.msk [tilespmem:v5+s3+$0x0], $0xffff  }
0x16c: {  	v4 =	vld.idx.msk [tilespmem:v63+s3+$0x0], $0xffff;
	_ =	sdelay $0x4  }
0x16d: {  	v3 =	vmul.f32 v4, v3  }
0x16e: {  	s7 =	simm.s32 $0x10;
	v5 =	vadd.s32 $0x700, v2  }
0x16f: {  	v2 =	vld [tilespmem:s7+$0xA000];
	[tilespmem:s1+$0x1A380] =	vst v3;
	v3 =	vor.u32 $0x700, v1;
	_ =	sdelay $0x3  }
0x170: {  	s4 =	simm.s32 $0x80;
	v1 =	vld.idx.msk [tilespmem:v5+s3+$0x0], $0xffff  }
.LBB2_8:
0x171: {  	p0 =	sne.s32 s4, $0x1C0;
	v3 =	vld.idx.msk [tilespmem:v3+s3+$0x0], $0xffff;
	s6 =	smov.u32 s4;
	s4 =	sadd.s32 $0x40, s4  }
0x172: {  	_ =	sdelay $0x1  }
0x173: {  	v4 =	vshra.s32 v2, $0x8;
	v2 =	vand.u32 $0xFF, v2  }
0x174: {  	v5 =	vadd.s32 v0, v4;
	v2 =	vor.u32 v0, v2  }
0x175: {  	v4 =	vand.u32 $0x7F, v4;
	v6 =	vand.u32 $0xFFFFFF80, v5  }
0x176: {  	v1 =	vmul.f32 v3, v1;
	v4 =	vor.u32 v4, v6;
	_ =	sdelay $0x1  }
0x177: {  	[tilespmem:s1+$0x1A400] =	vst v1;
	s1 =	smov.u32 s7  }
0x178: {  	v1 =	vld.idx.msk [tilespmem:v5+s3+$0x0], $0xffff  }
0x179: {  	v3 =	vld.idx.msk [tilespmem:v2+s3+$0x0], $0xffff;
	_ =	sdelay $0x3  }
0x17a: {  	v6 =	vor.u32 $0x100, v2;
	v5 =	vadd.s32 $0x100, v4;
	_ =	sdelay $0x1  }
0x17b: {  	v1 =	vmul.f32 v3, v1;
	_ =	sdelay $0x1  }
0x17c: {  	[tilespmem:s1+$0x1A080] =	vst v1  }
0x17d: {  	v1 =	vld.idx.msk [tilespmem:v5+s3+$0x0], $0xffff  }
0x17e: {  	v3 =	vld.idx.msk [tilespmem:v6+s3+$0x0], $0xffff;
	_ =	sdelay $0x3  }
0x17f: {  	v5 =	vadd.s32 $0x200, v4;
	v6 =	vor.u32 $0x200, v2;
	_ =	sdelay $0x1  }
0x180: {  	v1 =	vmul.f32 v3, v1;
	_ =	sdelay $0x1  }
0x181: {  	[tilespmem:s1+$0x1A100] =	vst v1  }
0x182: {  	v1 =	vld.idx.msk [tilespmem:v5+s3+$0x0], $0xffff  }
0x183: {  	v3 =	vld.idx.msk [tilespmem:v6+s3+$0x0], $0xffff;
	_ =	sdelay $0x3  }
0x184: {  	v5 =	vadd.s32 $0x300, v4;
	v6 =	vor.u32 $0x300, v2;
	_ =	sdelay $0x1  }
0x185: {  	v1 =	vmul.f32 v3, v1;
	_ =	sdelay $0x1  }
0x186: {  	[tilespmem:s1+$0x1A180] =	vst v1  }
0x187: {  	v1 =	vld.idx.msk [tilespmem:v5+s3+$0x0], $0xffff  }
0x188: {  	v3 =	vld.idx.msk [tilespmem:v6+s3+$0x0], $0xffff;
	_ =	sdelay $0x3  }
0x189: {  	v5 =	vadd.s32 $0x400, v4;
	v6 =	vor.u32 $0x400, v2;
	_ =	sdelay $0x1  }
0x18a: {  	v1 =	vmul.f32 v3, v1;
	_ =	sdelay $0x1  }
0x18b: {  	[tilespmem:s1+$0x1A200] =	vst v1  }
0x18c: {  	v1 =	vld.idx.msk [tilespmem:v5+s3+$0x0], $0xffff  }
0x18d: {  	v3 =	vld.idx.msk [tilespmem:v6+s3+$0x0], $0xffff;
	_ =	sdelay $0x3  }
0x18e: {  	v5 =	vadd.s32 $0x500, v4;
	v6 =	vor.u32 $0x500, v2;
	_ =	sdelay $0x1  }
0x18f: {  	v1 =	vmul.f32 v3, v1;
	_ =	sdelay $0x1  }
0x190: {  	[tilespmem:s1+$0x1A280] =	vst v1  }
0x191: {  	v1 =	vld.idx.msk [tilespmem:v5+s3+$0x0], $0xffff  }
0x192: {  	v3 =	vld.idx.msk [tilespmem:v6+s3+$0x0], $0xffff;
	_ =	sdelay $0x3  }
0x193: {  	v5 =	vadd.s32 $0x600, v4;
	v6 =	vor.u32 $0x600, v2;
	_ =	sdelay $0x1  }
0x194: {  	v1 =	vmul.f32 v3, v1;
	_ =	sdelay $0x1  }
0x195: {  	[tilespmem:s1+$0x1A300] =	vst v1  }
0x196: {  	v1 =	vld.idx.msk [tilespmem:v5+s3+$0x0], $0xffff  }
0x197: {  	v5 =	vld.idx.msk [tilespmem:v6+s3+$0x0], $0xffff;
	_ =	sdelay $0x3  }
0x198: {  	v4 =	vadd.s32 $0x700, v4;
	v3 =	vor.u32 $0x700, v2  }
.Ltmp3:
0x199: {  	(pc) =	sbr.rel @p0 .LBB2_8-.Ltmp3, $4  }
0x19a: {  	v1 =	vmul.f32 v5, v1  }
0x19b: {  	s7 =	sshra.s32 s6, $0x2  }
0x19c: {  	v2 =	vld [tilespmem:s7+$0xA000];
	[tilespmem:s1+$0x1A380] =	vst v1  }
0x19d: {  	v1 =	vld.idx.msk [tilespmem:v4+s3+$0x0], $0xffff  }
0x19e: {  	_ =	sdelay $0x3  }
0x19f: {  	v3 =	vld.idx.msk [tilespmem:v3+s3+$0x0], $0xffff;
	_ =	sdelay $0x1  }
0x1a0: {  	v4 =	vshra.s32 v2, $0x8  }
0x1a1: {  	v44 =	vand.u32 $0xFF, v2;
	v5 =	vadd.s32 v0, v4  }
0x1a2: {  	v45 =	vor.u32 v0, v44  }
0x1a3: {  	v1 =	vmul.f32 v3, v1;
	_ =	sdelay $0x1  }
0x1a4: {  	[tilespmem:s1+$0x1A400] =	vst v1  }
0x1a5: {  	v1 =	vld.idx.msk [tilespmem:v5+s3+$0x0], $0xffff  }
0x1a6: {  	v2 =	vld.idx.msk [tilespmem:v45+s3+$0x0], $0xffff  }
0x1a7: {  	v4 =	vand.u32 $0x7F, v4;
	v46 =	vand.u32 $0xFFFFFF80, v5  }
0x1a8: {  	v3 =	vor.u32 v4, v46  }
0x1a9: {  	v4 =	vadd.s32 $0x100, v3  }
0x1aa: {  	v47 =	vor.u32 $0x100, v45  }
0x1ab: {  	v1 =	vmul.f32 v2, v1;
	_ =	sdelay $0x1  }
0x1ac: {  	[tilespmem:s7+$0x1A080] =	vst v1  }
0x1ad: {  	v1 =	vld.idx.msk [tilespmem:v4+s3+$0x0], $0xffff  }
0x1ae: {  	v48 =	vld.idx.msk [tilespmem:v47+s3+$0x0], $0xffff;
	_ =	sdelay $0x2  }
0x1af: {  	v49 =	vadd.s32 $0x200, v3  }
0x1b0: {  	v50 =	vor.u32 $0x200, v45  }
0x1b1: {  	v1 =	vmul.f32 v48, v1;
	_ =	sdelay $0x1  }
0x1b2: {  	[tilespmem:s7+$0x1A100] =	vst v1  }
0x1b3: {  	v1 =	vld.idx.msk [tilespmem:v49+s3+$0x0], $0xffff  }
0x1b4: {  	v51 =	vld.idx.msk [tilespmem:v50+s3+$0x0], $0xffff;
	_ =	sdelay $0x2  }
0x1b5: {  	v52 =	vadd.s32 $0x300, v3  }
0x1b6: {  	v53 =	vor.u32 $0x300, v45  }
0x1b7: {  	v1 =	vmul.f32 v51, v1;
	_ =	sdelay $0x1  }
0x1b8: {  	[tilespmem:s7+$0x1A180] =	vst v1  }
0x1b9: {  	v1 =	vld.idx.msk [tilespmem:v52+s3+$0x0], $0xffff  }
0x1ba: {  	v54 =	vld.idx.msk [tilespmem:v53+s3+$0x0], $0xffff;
	_ =	sdelay $0x2  }
0x1bb: {  	v55 =	vadd.s32 $0x400, v3  }
0x1bc: {  	v56 =	vor.u32 $0x400, v45  }
0x1bd: {  	v1 =	vmul.f32 v54, v1;
	_ =	sdelay $0x1  }
0x1be: {  	[tilespmem:s7+$0x1A200] =	vst v1  }
0x1bf: {  	v1 =	vld.idx.msk [tilespmem:v55+s3+$0x0], $0xffff  }
0x1c0: {  	v57 =	vld.idx.msk [tilespmem:v56+s3+$0x0], $0xffff;
	_ =	sdelay $0x2  }
0x1c1: {  	v58 =	vadd.s32 $0x500, v3  }
0x1c2: {  	v59 =	vor.u32 $0x500, v45  }
0x1c3: {  	v1 =	vmul.f32 v57, v1;
	_ =	sdelay $0x1  }
0x1c4: {  	[tilespmem:s7+$0x1A280] =	vst v1  }
0x1c5: {  	v1 =	vld.idx.msk [tilespmem:v58+s3+$0x0], $0xffff  }
0x1c6: {  	v60 =	vld.idx.msk [tilespmem:v59+s3+$0x0], $0xffff;
	_ =	sdelay $0x2  }
0x1c7: {  	v61 =	vadd.s32 $0x600, v3  }
0x1c8: {  	v62 =	vor.u32 $0x600, v45  }
0x1c9: {  	v1 =	vmul.f32 v60, v1;
	_ =	sdelay $0x1  }
0x1ca: {  	[tilespmem:s7+$0x1A300] =	vst v1  }
0x1cb: {  	v1 =	vld.idx.msk [tilespmem:v61+s3+$0x0], $0xffff  }
0x1cc: {  	v63 =	vld.idx.msk [tilespmem:v62+s3+$0x0], $0xffff;
	_ =	sdelay $0x2  }
0x1cd: {  	v3 =	vadd.s32 $0x700, v3  }
0x1ce: {  	v0 =	vor.u32 $0x700, v45  }
0x1cf: {  	v1 =	vmul.f32 v63, v1;
	_ =	sdelay $0x1  }
0x1d0: {  	[tilespmem:s7+$0x1A380] =	vst v1  }
0x1d1: {  	v1 =	vld.idx.msk [tilespmem:v3+s3+$0x0], $0xffff  }
0x1d2: {  	v0 =	vld.idx.msk [tilespmem:v0+s3+$0x0], $0xffff;
	_ =	sdelay $0x1  }
0x1d3: {  	s31 =	sadd.s32 s5, s0  }
0x1d4: {  	s1 =	smul.u32 $0x40400, s31;
	_ =	sdelay $0x1  }
0x1d5: {  	s0 =	sadd.s32 $0x1, s0;
	s1 =	sshrl.u32 s1, $0x3;
	v0 =	vmul.f32 v0, v1  }
0x1d6: {  	p0 =	sne.s32 s0, $0x4;
	s1 =	sadd.s32 s2, s1  }
.Ltmp4:
0x1d7: {  	s1 =	sadd.s32 $0x8000, s1;
	[tilespmem:s7+$0x1A400] =	vst v0;
	(pc) =	sbr.rel @p0 .LBB2_7-.Ltmp4, $4  }
0x1d8: {  	[hbm4b:s1+s3] =	stream.linear.scatter [tilespmem:s26], [sflag:$0x3], $0x400, $0x38;
	[tilespmem:$0x1A480] =	vst v63  }
0x1d9: {  	_ =	swait.ge [sflag:s8], $0x400  }
0x1da: {  	[sflag:s8] =	ssyncset.done $0x0  }
0x1db: {  	[sflag:s8] =	ssyncadd.s32 $0xFFFFFC00  }
0x1dc: {  	s0 =	simm.s32 $0x1  }
0x1dd: {  	_ =	swait.ge [sflag:s0], $0x1000  }
0x1de: {  	[sflag:s0] =	ssyncset.done $0x0  }
0x1df: {  	[sflag:s0] =	ssyncadd.s32 $0xFFFFF000  }
0x1e0: {  	_ =	swait.ge [sflag:s0], $0x1000  }
0x1e1: {  	[sflag:s0] =	ssyncset.done $0x0  }
0x1e2: {  	[sflag:s0] =	ssyncadd.s32 $0xFFFFF000  }
0x1e3: {  	_ =	swait.ge [sflag:s0], $0x1000  }
0x1e4: {  	[sflag:s0] =	ssyncset.done $0x0  }
0x1e5: {  	[sflag:s0] =	ssyncadd.s32 $0xFFFFF000  }
0x1e6: {  	_ =	swait.ge [sflag:s0], $0x1000  }
0x1e7: {  	[sflag:s0] =	ssyncset.done $0x0  }
0x1e8: {  	[sflag:s0] =	ssyncadd.s32 $0xFFFFF000  }
0x1e9: {  	_ =	swait.ge [sflag:s0], $0x1000  }
0x1ea: {  	[sflag:s0] =	ssyncset.done $0x0  }
0x1eb: {  	[sflag:s0] =	ssyncadd.s32 $0xFFFFF000  }
0x1ec: {  	_ =	swait.ge [sflag:s0], $0x1000  }
0x1ed: {  	[sflag:s0] =	ssyncset.done $0x0  }
0x1ee: {  	[sflag:s0] =	ssyncadd.s32 $0xFFFFF000  }
0x1ef: {  	_ =	swait.ge [sflag:s0], $0x1000  }
0x1f0: {  	[sflag:s0] =	ssyncset.done $0x0  }
0x1f1: {  	[sflag:s0] =	ssyncadd.s32 $0xFFFFF000  }
0x1f2: {  	_ =	swait.ge [sflag:s0], $0x1000  }
0x1f3: {  	[sflag:s0] =	ssyncset.done $0x0  }
0x1f4: {  	s1 =	simm.s32 $0x2;
	[sflag:s0] =	ssyncadd.s32 $0xFFFFF000  }
0x1f5: {  	_ =	swait.ge [sflag:s1], $0x1000  }
0x1f6: {  	[sflag:s1] =	ssyncset.done $0x0  }
0x1f7: {  	[sflag:s1] =	ssyncadd.s32 $0xFFFFF000  }
0x1f8: {  	_ =	swait.ge [sflag:s1], $0x1000  }
0x1f9: {  	[sflag:s1] =	ssyncset.done $0x0  }
0x1fa: {  	[sflag:s1] =	ssyncadd.s32 $0xFFFFF000  }
0x1fb: {  	_ =	swait.ge [sflag:s1], $0x1000  }
0x1fc: {  	[sflag:s1] =	ssyncset.done $0x0  }
0x1fd: {  	[sflag:s1] =	ssyncadd.s32 $0xFFFFF000  }
0x1fe: {  	_ =	swait.ge [sflag:s1], $0x1000  }
0x1ff: {  	[sflag:s1] =	ssyncset.done $0x0  }
0x200: {  	[sflag:s1] =	ssyncadd.s32 $0xFFFFF000  }
0x201: {  	_ =	swait.ge [sflag:s1], $0x1000  }
0x202: {  	[sflag:s1] =	ssyncset.done $0x0  }
0x203: {  	[sflag:s1] =	ssyncadd.s32 $0xFFFFF000  }
0x204: {  	_ =	swait.ge [sflag:s1], $0x1000  }
0x205: {  	[sflag:s1] =	ssyncset.done $0x0  }
0x206: {  	[sflag:s1] =	ssyncadd.s32 $0xFFFFF000  }
0x207: {  	_ =	swait.ge [sflag:s1], $0x1000  }
0x208: {  	[sflag:s1] =	ssyncset.done $0x0  }
0x209: {  	[sflag:s1] =	ssyncadd.s32 $0xFFFFF000  }
0x20a: {  	_ =	swait.ge [sflag:s1], $0x1000  }
0x20b: {  	s4 =	rddreg [dreg:$0x6]  }
0x20c: {  	s31 =	rddreg [dreg:$0x5];
	s4 =	sadd.s32 $0x1, s4  }
0x20d: {  	p0 =	sne.s32 s4, s31  }
.Ltmp5:
0x20e: {  	_ = 	snop;
	(pc) =	sbr.rel @p0 .LBB2_1-.Ltmp5, $3  }
0x20f: {  	_ =	sdelay $0x1  }
0x210: {  	[sflag:s1] =	ssyncset.done $0x0  }
0x211: {  	[sflag:s1] =	ssyncadd.s32 $0xFFFFF000  }
0x212: {  	_ =	sfence.sel $0x180000  }
0x213: {  	[bflag:$0x0] =	sbarrier.arrive $0xFFFF  }
0x214: {  	_ =	strace $0x90000047  }
0x215: {  	s0 =	stileid.u32;
	[bflag:$0x2] =	sbarrier.arrive $0xFFFF  }
0x216: {  	p0 =	sne.s32 s0, $0x0;
	s0 =	rddreg [dreg:$0x2]  }
0x217: {  	s0 =	sadd.s32 @!p0 $0x100000, s0  }
0x218: {  	[sflag:s0] =	ssyncadd.tile.s32 @!p0 $0x1;
	_ =	shalt  }
.Lfunc_end2:
_tile_overlayer_lowered:
.L_overlay_start_2:
0x219: {  	(tag) =	ssettag $0x2  }
0x21a: {  	s0 =	rddreg [dreg:$0x0];
	s2 =	stileid.u32  }
0x21b: {  	s1 =	rddreg [dreg:$0x1];
	p0 =	sne.s32 s2, $0x0  }
0x21c: {  	s3 =	rddreg [dreg:$0x2];
	[bflag:$0x3] =	sbarrier.arrive $0xFFFF;
	s2 =	simm.s32 @!p0 $0x1C03  }
0x21d: {  	[timem:s3], [sflag:s2] =	dma.local @!p0 [hbm:s0], s1  }
0x21e: {  	s0 =	simm.s32 @!p0 $0x3  }
0x21f: {  	_ =	swait.ge @!p0 [sflag:s0], s1  }
0x220: {  	s1 =	ssub.s32 @!p0 $0x0, s1;
	[sflag:s0] =	ssyncset.done @!p0 $0x0  }
0x221: {  	[sflag:s0] =	ssyncadd.s32 @!p0 s1  }
0x222: {  	[bflag:$0x3] =	sbarrier.arrive $0xFFFF  }
0x223: {  	_ =	shalt  }

</sc_bundles>
